<compile_context>
chip_gen: v7x
topology: tpu7x:2x2x1
jax: 0.10.2.dev20260603
libtpu: 0.0.44.dev20260713+nightly
codegen_flags: <defaults>
</compile_context>

<pallas_src>
import functools

import jax
import jax.numpy as jnp
from jax import lax
from jax.experimental import pallas as pl
from jax.experimental.pallas import tpu as pltpu
from jax.experimental.pallas import tpu_sc as plsc

_NEG_INF = float("-inf")



def _topk_body(q_ref, m_ref, vals_ref, idx_ref, qn_ref, *, M, Mb, K):
    j = pl.program_id(0)
    B = q_ref.shape[0]

    @pl.when(j == 0)
    def _init():
        q = q_ref[...]
        qn = q / jnp.maximum(
            jnp.sqrt(jnp.sum(q * q, axis=1, keepdims=True)), 1e-12)
        qn_ref[...] = qn
        vals_ref[...] = jnp.full((B, K), _NEG_INF, jnp.float32)
        idx_ref[...] = jnp.zeros((B, K), jnp.int32)

    m = m_ref[...]
    mn = m / jnp.maximum(
        jnp.sqrt(jnp.sum(m * m, axis=1, keepdims=True)), 1e-12)
    s = lax.dot_general(qn_ref[...], mn, (((1,), (1,)), ((), ())),
                        preferred_element_type=jnp.float32)
    s = jnp.where(s > 0.999, _NEG_INF, s)
    bits = lax.bitcast_convert_type(s, jnp.int32)
    mono = bits ^ (lax.shift_right_arithmetic(bits, 31)
                   & jnp.int32(0x7FFFFFFF))
    col = lax.broadcasted_iota(jnp.int32, (B, Mb), 1)
    key = (mono & jnp.int32(~0x7FF)) | (jnp.int32(Mb - 1) - col)
    base = j * Mb
    vals = vals_ref[...]
    idxs = idx_ref[...]
    kk = lax.broadcasted_iota(jnp.int32, (B, K), 1)
    for _ in range(K):
        kmax = jnp.max(key, axis=1, keepdims=True)
        key = jnp.where(key == kmax, jnp.int32(-2**31), key)
        vm = kmax & jnp.int32(~0x7FF)
        vb = vm ^ (lax.shift_right_arithmetic(vm, 31) & jnp.int32(0x7FFFFFFF))
        bmf = lax.bitcast_convert_type(vb, jnp.float32)
        bmf = jnp.where(bmf >= 0.0, bmf, _NEG_INF)
        bif = (jnp.int32(Mb - 1) - (kmax & jnp.int32(0x7FF))) + base
        pos = jnp.sum((vals >= bmf).astype(jnp.int32), axis=1, keepdims=True)
        sh_vals = jnp.concatenate([vals[:, :1], vals[:, :K - 1]], axis=1)
        sh_idxs = jnp.concatenate([idxs[:, :1], idxs[:, :K - 1]], axis=1)
        vals = jnp.where(kk < pos, vals, jnp.where(kk == pos, bmf, sh_vals))
        idxs = jnp.where(kk < pos, idxs, jnp.where(kk == pos, bif, sh_idxs))
    vals_ref[...] = vals
    idx_ref[...] = idxs


def _topk_scan(query, memory_bank, K, Mb=1024):
    B, D = query.shape
    M = memory_bank.shape[0]
    nblocks = M // Mb
    assert M % Mb == 0 and Mb <= 2048
    body = functools.partial(_topk_body, M=M, Mb=Mb, K=K)
    return pl.pallas_call(
        body,
        grid=(nblocks,),
        in_specs=[
            pl.BlockSpec((B, D), lambda j: (0, 0)),
            pl.BlockSpec((Mb, D), lambda j: (j, 0)),
        ],
        out_specs=[
            pl.BlockSpec((B, K), lambda j: (0, 0)),
            pl.BlockSpec((B, K), lambda j: (0, 0)),
        ],
        out_shape=[
            jax.ShapeDtypeStruct((B, K), jnp.float32),
            jax.ShapeDtypeStruct((B, K), jnp.int32),
        ],
        scratch_shapes=[pltpu.VMEM((B, D), jnp.float32)],
        compiler_params=pltpu.CompilerParams(
            dimension_semantics=("arbitrary",)),
    )(query, memory_bank)



def _sc_gather(memory_bank, idx_flat):
    Bf = idx_flat.shape[0]
    D = memory_bank.shape[1]
    info = plsc.get_sparse_core_info()
    NC, NS = info.num_cores, info.num_subcores
    NW = NC * NS
    b_per_w = Bf // NW
    mesh = plsc.VectorSubcoreMesh(core_axis_name="c", subcore_axis_name="s")

    @functools.partial(
        pl.kernel, mesh=mesh,
        out_type=jax.ShapeDtypeStruct((Bf, D), jnp.float32),
        scratch_types=[
            pltpu.VMEM((b_per_w,), jnp.int32),
            pltpu.VMEM((b_per_w, D), jnp.float32),
            pltpu.SemaphoreType.DMA,
        ],
    )
    def gather_k(table_hbm, idx_hbm, out_hbm, idx_v, rows_v, sem):
        wid = lax.axis_index("s") * NC + lax.axis_index("c")
        base = wid * b_per_w
        pltpu.sync_copy(idx_hbm.at[pl.ds(base, b_per_w)], idx_v)
        pltpu.async_copy(table_hbm.at[idx_v], rows_v, sem).wait()
        pltpu.sync_copy(rows_v, out_hbm.at[pl.ds(base, b_per_w)])

    return gather_k(memory_bank, idx_flat)



def _attn_body(q_ref, ret_ref, ts_ref, wq_ref, bq_ref, wk_ref, bk_ref,
               wv_ref, bv_ref, wo_ref, bo_ref, wg1_ref, wg2_ref, bg_ref,
               gamma_ref, beta_ref, out_ref, *, K):
    B, D = q_ref.shape
    q = q_ref[...]
    qn = q / jnp.maximum(
        jnp.sqrt(jnp.sum(q * q, axis=1, keepdims=True)), 1e-12)
    Q = jnp.dot(q, wq_ref[...], preferred_element_type=jnp.float32) \
        + bq_ref[...]
    ts = ts_ref[...]
    mask = ts > _NEG_INF
    scale = D ** -0.5

    rnorms = []
    scores = []
    sims = []
    for k in range(K):
        Rk = ret_ref[k * B:(k + 1) * B, :]
        rn = jnp.maximum(
            jnp.sqrt(jnp.sum(Rk * Rk, axis=1, keepdims=True)), 1e-12)
        rnorms.append(rn)
        Rkn = Rk / rn
        sims.append(jnp.sum(qn * Rkn, axis=1, keepdims=True))
        Kp = jnp.dot(Rkn, wk_ref[...],
                     preferred_element_type=jnp.float32) + bk_ref[...]
        scores.append(jnp.sum(Q * Kp, axis=1, keepdims=True) * scale)
    sc = jnp.concatenate(scores, axis=1)
    sc = jnp.where(mask, sc, _NEG_INF)
    mx = jnp.max(sc, axis=1, keepdims=True)
    e = jnp.where(mask, jnp.exp(sc - mx), 0.0)
    w = e / jnp.maximum(jnp.sum(e, axis=1, keepdims=True), 1e-30)
    w = jnp.where(mask, w, 0.0)

    mem = jnp.zeros((B, D), jnp.float32)
    for k in range(K):
        Rk = ret_ref[k * B:(k + 1) * B, :]
        V = jnp.dot(Rk / rnorms[k], wv_ref[...],
                    preferred_element_type=jnp.float32) + bv_ref[...]
        mem = mem + w[:, k:k + 1] * V
    mem = jnp.dot(mem, wo_ref[...], preferred_element_type=jnp.float32) \
        + bo_ref[...]

    sim = jnp.concatenate(sims, axis=1)
    max_sim = jnp.max(jnp.where(mask, sim, _NEG_INF), axis=1, keepdims=True)
    g_lin = (jnp.sum(q * wg1_ref[...], axis=1, keepdims=True)
             + jnp.sum(mem * wg2_ref[...], axis=1, keepdims=True)
             + bg_ref[...])
    gate = jax.nn.sigmoid(g_lin) * jax.nn.sigmoid(max_sim)
    out = q + gate * mem
    mu = jnp.mean(out, axis=1, keepdims=True)
    d = out - mu
    var = jnp.mean(d * d, axis=1, keepdims=True)
    out_ref[...] = d / jnp.sqrt(var + 1e-5) * gamma_ref[...] + beta_ref[...]


def _attention(query, retrieved, top_sims, Wq, bq, Wk, bk, Wv, bv, Wo, bo,
               wg1, wg2, bg, gamma, beta, K):
    B, D = query.shape
    body = functools.partial(_attn_body, K=K)
    return pl.pallas_call(
        body,
        out_shape=jax.ShapeDtypeStruct((B, D), jnp.float32),
    )(query, retrieved, top_sims, Wq, bq, Wk, bk, Wv, bv, Wo, bo,
      wg1, wg2, bg, gamma, beta)



def kernel(query, memory_bank, Wq, bq, Wk, bk, Wv, bv, Wo, bo, Wg, bg,
           gamma, beta):
    B, D = query.shape
    K = 5
    top_sims, top_idx = _topk_scan(query, memory_bank, K, Mb=2000)
    idx_flat = top_idx.T.reshape(-1)
    retrieved = _sc_gather(memory_bank, idx_flat)
    wg1 = Wg[:D, 0].reshape(1, D)
    wg2 = Wg[D:, 0].reshape(1, D)
    return _attention(
        query, retrieved, top_sims, Wq, bq.reshape(1, D), Wk,
        bk.reshape(1, D), Wv, bv.reshape(1, D), Wo, bo.reshape(1, D),
        wg1, wg2, bg.reshape(1, 1), gamma.reshape(1, D), beta.reshape(1, D),
        K)

# --- scband reference (transcript-rebuilt; emitter-appended) ---
"""Pipeline reference for scband-memory-augmented-forecaster-41077067219102 (READ-ONLY COPY).

The authoritative reference and input builder live on the scoring server;
editing this copy changes nothing except your own understanding.
"""

import jax, jax.numpy as jnp
import numpy as np

B = 1024
M = 100000
D = 512
TOPK = 5
THRESH = 0.0
GATE_TEMP = 1.0


def setup_inputs(seed: int = 0) -> dict:
    key = jax.random.key(seed)
    ks = jax.random.split(key, 12)
    return {
        "query": jax.random.normal(ks[0], (B, D), dtype=jnp.float32),
        "memory_bank": jax.random.normal(ks[1], (M, D), dtype=jnp.float32),
        "Wq": jax.random.normal(ks[2], (D, D), dtype=jnp.float32) * 0.02,
        "bq": jnp.zeros((D,), jnp.float32),
        "Wk": jax.random.normal(ks[3], (D, D), dtype=jnp.float32) * 0.02,
        "bk": jnp.zeros((D,), jnp.float32),
        "Wv": jax.random.normal(ks[4], (D, D), dtype=jnp.float32) * 0.02,
        "bv": jnp.zeros((D,), jnp.float32),
        "Wo": jax.random.normal(ks[5], (D, D), dtype=jnp.float32) * 0.02,
        "bo": jnp.zeros((D,), jnp.float32),
        "Wg": jax.random.normal(ks[6], (2 * D, 1), dtype=jnp.float32) * 0.02,
        "bg": jnp.zeros((1,), jnp.float32),
        "gamma": jnp.ones((D,), jnp.float32),
        "beta": jnp.zeros((D,), jnp.float32),
    }


def reference(query, memory_bank, Wq, bq, Wk, bk, Wv, bv, Wo, bo, Wg, bg, gamma, beta):
    # --- SeriesMemoryBank.retrieve ---
    qn = query / jnp.maximum(jnp.linalg.norm(query, axis=-1, keepdims=True), 1e-12)
    mn = memory_bank / jnp.maximum(jnp.linalg.norm(memory_bank, axis=-1, keepdims=True), 1e-12)
    sims = jnp.matmul(qn, mn.T)  # (B, M) -- compute-heavy similarity scan
    sims = jnp.where(sims > 0.999, -jnp.inf, sims)  # exclude_self
    valid = sims >= THRESH
    sims = jnp.where(valid, sims, -jnp.inf)
    top_sims, top_idx = jax.lax.top_k(sims, TOPK)  # (B, K)
    retrieved = jnp.take(mn, top_idx, axis=0)  # (B, K, D)
    mask = top_sims > -jnp.inf  # (B, K)
    # --- MemoryAugmentedAttention ---
    Q = query @ Wq + bq  # (B, D)
    Kp = retrieved @ Wk + bk  # (B, K, D)
    V = retrieved @ Wv + bv  # (B, K, D)
    scale = D ** (-0.5)
    scores = jnp.einsum('bd,bkd->bk', Q, Kp) * scale
    scores = jnp.where(mask, scores, -jnp.inf)
    w = jax.nn.softmax(scores, axis=-1)
    w = jnp.where(mask, w, 0.0)
    mem_out = jnp.sum(w[..., None] * V, axis=1)  # (B, D)
    mem_out = mem_out @ Wo + bo
    max_sim = jnp.max(top_sims, axis=-1, keepdims=True)
    gate_in = jnp.concatenate([query, mem_out], axis=-1)
    gate = jax.nn.sigmoid(gate_in @ Wg + bg)
    conf = jax.nn.sigmoid(GATE_TEMP * (max_sim - THRESH))
    gate = gate * conf
    out = query + gate * mem_out
    mu = jnp.mean(out, axis=-1, keepdims=True)
    var = jnp.var(out, axis=-1, keepdims=True)
    out = (out - mu) / jnp.sqrt(var + 1e-5) * gamma + beta
    return out

if __name__ == "__main__":
    import jax
    _d = setup_inputs()
    print(jax.jit(kernel)(*tuple(_d.values())))

</pallas_src>

<mosaic_0001>
#map = affine_map<(d0, d1) -> (0, 0)>
#map1 = affine_map<(d0, d1) -> (0)>
module attributes {stable_mosaic.version = 14 : i64} {
  func.func @gather_k(%arg0: i32, %arg1: i32, %arg2: memref<100000x512xf32, #tpu.memory_space<hbm>>, %arg3: memref<5120xi32, #tpu.memory_space<hbm>>, %arg4: memref<5120x512xf32, #tpu.memory_space<hbm>>, %arg5: memref<160xi32, #tpu.memory_space<vmem>>, %arg6: memref<160x512xf32, #tpu.memory_space<vmem>>, %arg7: memref<!tpu.dma_semaphore, #tpu.memory_space<semaphore_mem>>) attributes {dimension_semantics = [#tpu.dimension_semantics<core_parallel>, #tpu.dimension_semantics<subcore_parallel>], iteration_bounds = array<i64: 2, 16>, scalar_prefetch = 0 : i64, scratch_operands = 3 : i64, tpu.core_type = #tpu.core_type<sc_vector_subcore>, window_params = [{transform_indices = #map}, {transform_indices = #map1}, {transform_indices = #map}]} {
    %mul3A = arith.constant 2 : i32
    %mul3A_0 = arith.muli %arg1, %mul3A : i32
    %add3A = arith.addi %mul3A_0, %arg0 : i32
    %mul3A_1 = arith.constant 160 : i32
    %mul3A_2 = arith.muli %add3A, %mul3A_1 : i32
    "tpu.region"() ({
      %run_scoped3A = tpu.sem_alloc : memref<!tpu.dma_semaphore, #tpu.memory_space<semaphore_mem>>
      %dma_start3A_7 = tpu.memref_slice %arg3[%mul3A_2] : memref<5120xi32, #tpu.memory_space<hbm>> -> memref<160xi32, #tpu.memory_space<hbm>>
      %dma_start3A_8 = tpu.memref_slice %arg3[%mul3A_2] : memref<5120xi32, #tpu.memory_space<hbm>> -> memref<160xi32, #tpu.memory_space<hbm>>
      tpu.enqueue_dma source(%dma_start3A_8 : memref<160xi32, #tpu.memory_space<hbm>>) target(%arg5 : memref<160xi32, #tpu.memory_space<vmem>>) target_semaphore(%run_scoped3A : memref<!tpu.dma_semaphore, #tpu.memory_space<semaphore_mem>>)
      %dma_wait3A_9 = tpu.memref_slice %arg3[%mul3A_2] : memref<5120xi32, #tpu.memory_space<hbm>> -> memref<160xi32, #tpu.memory_space<hbm>>
      %dma_wait3A_10 = tpu.memref_slice %arg3[%mul3A_2] : memref<5120xi32, #tpu.memory_space<hbm>> -> memref<160xi32, #tpu.memory_space<hbm>>
      tpu.wait_dma2 semaphore(%run_scoped3A : memref<!tpu.dma_semaphore, #tpu.memory_space<semaphore_mem>>) src(%dma_wait3A_10 : memref<160xi32, #tpu.memory_space<hbm>>) dst(%arg5 : memref<160xi32, #tpu.memory_space<vmem>>)
      tpu.yield
    }) : () -> ()
    %dma_start3A = arith.constant 0 : i32
    %dma_start3A_3 = arith.constant 0 : i32
    %dma_start3A_4 = tpu.memref_slice %arg2[%dma_start3A, %dma_start3A_3] : memref<100000x512xf32, #tpu.memory_space<hbm>> -> memref<100000x512xf32, #tpu.memory_space<hbm>>
    tpu.enqueue_indirect_dma source(%dma_start3A_4 : memref<100000x512xf32, #tpu.memory_space<hbm>>) target(%arg6 : memref<160x512xf32, #tpu.memory_space<vmem>>) offsets(%arg5 : memref<160xi32, #tpu.memory_space<vmem>>) semaphore(%arg7 : memref<!tpu.dma_semaphore, #tpu.memory_space<semaphore_mem>>)
    %dma_wait3A = arith.constant 0 : i32
    %dma_wait3A_5 = arith.constant 0 : i32
    %dma_wait3A_6 = tpu.memref_slice %arg2[%dma_wait3A, %dma_wait3A_5] : memref<100000x512xf32, #tpu.memory_space<hbm>> -> memref<100000x512xf32, #tpu.memory_space<hbm>>
    tpu.wait_indirect_dma semaphore(%arg7 : memref<!tpu.dma_semaphore, #tpu.memory_space<semaphore_mem>>) src(%dma_wait3A_6 : memref<100000x512xf32, #tpu.memory_space<hbm>>) dst(%arg6 : memref<160x512xf32, #tpu.memory_space<vmem>>)
    "tpu.region"() ({
      %run_scoped3A = tpu.sem_alloc : memref<!tpu.dma_semaphore, #tpu.memory_space<semaphore_mem>>
      %dma_start3A_7 = arith.constant 0 : i32
      %dma_start3A_8 = tpu.memref_slice %arg4[%mul3A_2, %dma_start3A_7] : memref<5120x512xf32, #tpu.memory_space<hbm>> -> memref<160x512xf32, #tpu.memory_space<hbm>>
      %dma_start3A_9 = arith.constant 0 : i32
      %dma_start3A_10 = tpu.memref_slice %arg4[%mul3A_2, %dma_start3A_9] : memref<5120x512xf32, #tpu.memory_space<hbm>> -> memref<160x512xf32, #tpu.memory_space<hbm>>
      tpu.enqueue_dma source(%arg6 : memref<160x512xf32, #tpu.memory_space<vmem>>) target(%dma_start3A_10 : memref<160x512xf32, #tpu.memory_space<hbm>>) target_semaphore(%run_scoped3A : memref<!tpu.dma_semaphore, #tpu.memory_space<semaphore_mem>>)
      %dma_wait3A_11 = arith.constant 0 : i32
      %dma_wait3A_12 = tpu.memref_slice %arg4[%mul3A_2, %dma_wait3A_11] : memref<5120x512xf32, #tpu.memory_space<hbm>> -> memref<160x512xf32, #tpu.memory_space<hbm>>
      %dma_wait3A_13 = arith.constant 0 : i32
      %dma_wait3A_14 = tpu.memref_slice %arg4[%mul3A_2, %dma_wait3A_13] : memref<5120x512xf32, #tpu.memory_space<hbm>> -> memref<160x512xf32, #tpu.memory_space<hbm>>
      tpu.wait_dma2 semaphore(%run_scoped3A : memref<!tpu.dma_semaphore, #tpu.memory_space<semaphore_mem>>) src(%arg6 : memref<160x512xf32, #tpu.memory_space<vmem>>) dst(%dma_wait3A_14 : memref<160x512xf32, #tpu.memory_space<hbm>>)
      tpu.yield
    }) : () -> ()
    return
  }
}

module attributes {stable_mosaic.version = 14 : i64} {
  func.func @_topk_body(%arg0: i32, %arg1: memref<1024x512xf32, #tpu.memory_space<vmem>>, %arg2: memref<2000x512xf32, #tpu.memory_space<vmem>>, %arg3: memref<1024x5xf32, #tpu.memory_space<vmem>>, %arg4: memref<1024x5xi32, #tpu.memory_space<vmem>>, %arg5: memref<1024x512xf32, #tpu.memory_space<vmem>>) attributes {dimension_semantics = [#tpu.dimension_semantics<arbitrary>], iteration_bounds = array<i64: 50>, scalar_prefetch = 0 : i64, scratch_operands = 1 : i64, tpu.core_type = #tpu.core_type<tc>, window_params = [{pipeline_mode = #tpu.pipeline_mode<synchronous>, transform_indices = @transform_0, window_bounds = array<i64: 1024, 512>}, {transform_indices = @transform_1, window_bounds = array<i64: 2000, 512>}, {pipeline_mode = #tpu.pipeline_mode<synchronous>, transform_indices = @transform_2, window_bounds = array<i64: 1024, 5>}, {pipeline_mode = #tpu.pipeline_mode<synchronous>, transform_indices = @transform_3, window_bounds = array<i64: 1024, 5>}]} {
    %eq3A = arith.constant 0 : i32
    %eq3A_0 = arith.cmpi eq, %arg0, %eq3A : i32
    %convert_element_type3A = arith.extui %eq3A_0 : i1 to i32
    %cond3A = arith.constant 0 : i32
    %cond3A_1 = arith.cmpi ne, %convert_element_type3A, %cond3A : i32
    scf.if %cond3A_1 {
      %get3A_332 = arith.constant 0 : index
      %get3A_333 = arith.constant 0 : index
      %get3A_334 = vector.load %arg1[%get3A_332, %get3A_333] : memref<1024x512xf32, #tpu.memory_space<vmem>>, vector<1024x512xf32>
      %mul3A_335 = arith.mulf %get3A_334, %get3A_334 : vector<1024x512xf32>
      %reduce_sum3A_336 = arith.constant dense<0.000000e+00> : vector<1024xf32>
      %reduce_sum3A_337 = vector.multi_reduction <add>, %mul3A_335, %reduce_sum3A_336 [1] : vector<1024x512xf32> to vector<1024xf32>
      %broadcast_in_dim3A_338 = vector.shape_cast %reduce_sum3A_337 : vector<1024xf32> to vector<1024x1xf32>
      %sqrt3A_339 = math.sqrt %broadcast_in_dim3A_338 : vector<1024x1xf32>
      %max3A_340 = arith.constant 9.99999996E-13 : f32
      %max3A_341 = vector.broadcast %max3A_340 : f32 to vector<1024x1xf32>
      %max3A_342 = arith.maximumf %sqrt3A_339, %max3A_341 : vector<1024x1xf32>
      %div3A_343 = vector.broadcast %max3A_342 : vector<1024x1xf32> to vector<1024x512xf32>
      %div3A_344 = arith.divf %get3A_334, %div3A_343 : vector<1024x512xf32>
      %swap3A_345 = arith.constant 0 : index
      %swap3A_346 = arith.constant 0 : index
      %swap3A_347 = vector.load %arg5[%swap3A_345, %swap3A_346] : memref<1024x512xf32, #tpu.memory_space<vmem>>, vector<1024x512xf32>
      tpu.vector_store %arg5[%swap3A_345, %swap3A_346], %div3A_344 {strides = array<i32>} : memref<1024x512xf32, #tpu.memory_space<vmem>>, vector<1024x512xf32>,
      %broadcast_in_dim3A_348 = arith.constant 0xFF800000 : f32
      %broadcast_in_dim3A_349 = vector.broadcast %broadcast_in_dim3A_348 : f32 to vector<1024x5xf32>
      %swap3A_350 = arith.constant 0 : index
      %swap3A_351 = arith.constant 0 : index
      %swap3A_352 = vector.load %arg3[%swap3A_350, %swap3A_351] : memref<1024x5xf32, #tpu.memory_space<vmem>>, vector<1024x5xf32>
      tpu.vector_store %arg3[%swap3A_350, %swap3A_351], %broadcast_in_dim3A_349 {strides = array<i32>} : memref<1024x5xf32, #tpu.memory_space<vmem>>, vector<1024x5xf32>,
      %broadcast_in_dim3A_353 = arith.constant 0 : i32
      %broadcast_in_dim3A_354 = vector.broadcast %broadcast_in_dim3A_353 : i32 to vector<1024x5xi32>
      %swap3A_355 = arith.constant 0 : index
      %swap3A_356 = arith.constant 0 : index
      %swap3A_357 = vector.load %arg4[%swap3A_355, %swap3A_356] : memref<1024x5xi32, #tpu.memory_space<vmem>>, vector<1024x5xi32>
      tpu.vector_store %arg4[%swap3A_355, %swap3A_356], %broadcast_in_dim3A_354 {strides = array<i32>} : memref<1024x5xi32, #tpu.memory_space<vmem>>, vector<1024x5xi32>,
    } else {
    }
    %get3A = arith.constant 0 : index
    %get3A_2 = arith.constant 0 : index
    %get3A_3 = vector.load %arg2[%get3A, %get3A_2] : memref<2000x512xf32, #tpu.memory_space<vmem>>, vector<2000x512xf32>
    %mul3A = arith.mulf %get3A_3, %get3A_3 : vector<2000x512xf32>
    %reduce_sum3A = arith.constant dense<0.000000e+00> : vector<2000xf32>
    %reduce_sum3A_4 = vector.multi_reduction <add>, %mul3A, %reduce_sum3A [1] : vector<2000x512xf32> to vector<2000xf32>
    %broadcast_in_dim3A = vector.shape_cast %reduce_sum3A_4 : vector<2000xf32> to vector<2000x1xf32>
    %sqrt3A = math.sqrt %broadcast_in_dim3A : vector<2000x1xf32>
    %max3A = arith.constant 9.99999996E-13 : f32
    %max3A_5 = vector.broadcast %max3A : f32 to vector<2000x1xf32>
    %max3A_6 = arith.maximumf %sqrt3A, %max3A_5 : vector<2000x1xf32>
    %div3A = vector.broadcast %max3A_6 : vector<2000x1xf32> to vector<2000x512xf32>
    %div3A_7 = arith.divf %get3A_3, %div3A : vector<2000x512xf32>
    %get3A_8 = arith.constant 0 : index
    %get3A_9 = arith.constant 0 : index
    %get3A_10 = vector.load %arg5[%get3A_8, %get3A_9] : memref<1024x512xf32, #tpu.memory_space<vmem>>, vector<1024x512xf32>
    %dot_general3A = arith.constant dense<0.000000e+00> : vector<1024x2000xf32>
    %dot_general3A_11 = tpu.matmul %get3A_10, %div3A_7, %dot_general3A {dimension_numbers = #tpu.dot_dimension_numbers<[1], [1], [0], [0], [0, 0, 1, 0], [], []>, transpose_lhs_hint = false} : vector<1024x512xf32>, vector<2000x512xf32>, vector<1024x2000xf32> -> vector<1024x2000xf32>
    %gt3A = arith.constant 9.990000e-01 : f32
    %gt3A_12 = vector.broadcast %gt3A : f32 to vector<1024x2000xf32>
    %gt3A_13 = arith.cmpf ogt, %dot_general3A_11, %gt3A_12 : vector<1024x2000xf32>
    %jit3A = arith.constant 0xFF800000 : f32
    %broadcast_in_dim3A_14 = vector.broadcast %jit3A : f32 to vector<1024x2000xf32>
    %select_n3A = arith.select %gt3A_13, %broadcast_in_dim3A_14, %dot_general3A_11 : vector<1024x2000xi1>, vector<1024x2000xf32>
    %bitcast_convert_type3A = tpu.bitcast %select_n3A : vector<1024x2000xf32> -> vector<1024x2000xi32>
    %shift_right_arithmetic3A = arith.constant 31 : i32
    %shift_right_arithmetic3A_15 = vector.broadcast %shift_right_arithmetic3A : i32 to vector<1024x2000xi32>
    %shift_right_arithmetic3A_16 = arith.shrsi %bitcast_convert_type3A, %shift_right_arithmetic3A_15 : vector<1024x2000xi32>
    %and3A = arith.constant 2147483647 : i32
    %and3A_17 = vector.broadcast %and3A : i32 to vector<1024x2000xi32>
    %and3A_18 = arith.andi %shift_right_arithmetic3A_16, %and3A_17 : vector<1024x2000xi32>
    %xor3A = arith.xori %bitcast_convert_type3A, %and3A_18 : vector<1024x2000xi32>
    %iota3A = tpu.iota {dimensions = array<i32: 1>} : vector<1024x2000xi32>
    %and3A_19 = arith.constant -2048 : i32
    %and3A_20 = vector.broadcast %and3A_19 : i32 to vector<1024x2000xi32>
    %and3A_21 = arith.andi %xor3A, %and3A_20 : vector<1024x2000xi32>
    %sub3A = arith.constant 1999 : i32
    %sub3A_22 = vector.broadcast %sub3A : i32 to vector<1024x2000xi32>
    %sub3A_23 = arith.subi %sub3A_22, %iota3A : vector<1024x2000xi32>
    %or3A = arith.ori %and3A_21, %sub3A_23 : vector<1024x2000xi32>
    %mul3A_24 = arith.constant 2000 : i32
    %mul3A_25 = arith.muli %arg0, %mul3A_24 : i32
    %get3A_26 = arith.constant 0 : index
    %get3A_27 = arith.constant 0 : index
    %get3A_28 = vector.load %arg3[%get3A_26, %get3A_27] : memref<1024x5xf32, #tpu.memory_space<vmem>>, vector<1024x5xf32>
    %get3A_29 = arith.constant 0 : index
    %get3A_30 = arith.constant 0 : index
    %get3A_31 = vector.load %arg4[%get3A_29, %get3A_30] : memref<1024x5xi32, #tpu.memory_space<vmem>>, vector<1024x5xi32>
    %iota3A_32 = tpu.iota {dimensions = array<i32: 1>} : vector<1024x5xi32>
    %reduce_max3A = arith.constant dense<-2147483648> : vector<1024xi32>
    %reduce_max3A_33 = vector.multi_reduction <maxsi>, %or3A, %reduce_max3A [1] : vector<1024x2000xi32> to vector<1024xi32>
    %broadcast_in_dim3A_34 = vector.shape_cast %reduce_max3A_33 : vector<1024xi32> to vector<1024x1xi32>
    %eq3A_35 = vector.broadcast %broadcast_in_dim3A_34 : vector<1024x1xi32> to vector<1024x2000xi32>
    %eq3A_36 = arith.cmpi eq, %or3A, %eq3A_35 : vector<1024x2000xi32>
    %jit3A_37 = arith.constant -2147483648 : i32
    %broadcast_in_dim3A_38 = vector.broadcast %jit3A_37 : i32 to vector<1024x2000xi32>
    %select_n3A_39 = arith.select %eq3A_36, %broadcast_in_dim3A_38, %or3A : vector<1024x2000xi1>, vector<1024x2000xi32>
    %and3A_40 = arith.constant -2048 : i32
    %and3A_41 = vector.broadcast %and3A_40 : i32 to vector<1024x1xi32>
    %and3A_42 = arith.andi %broadcast_in_dim3A_34, %and3A_41 : vector<1024x1xi32>
    %shift_right_arithmetic3A_43 = arith.constant 31 : i32
    %shift_right_arithmetic3A_44 = vector.broadcast %shift_right_arithmetic3A_43 : i32 to vector<1024x1xi32>
    %shift_right_arithmetic3A_45 = arith.shrsi %and3A_42, %shift_right_arithmetic3A_44 : vector<1024x1xi32>
    %and3A_46 = arith.constant 2147483647 : i32
    %and3A_47 = vector.broadcast %and3A_46 : i32 to vector<1024x1xi32>
    %and3A_48 = arith.andi %shift_right_arithmetic3A_45, %and3A_47 : vector<1024x1xi32>
    %xor3A_49 = arith.xori %and3A_42, %and3A_48 : vector<1024x1xi32>
    %bitcast_convert_type3A_50 = tpu.bitcast %xor3A_49 : vector<1024x1xi32> -> vector<1024x1xf32>
    %ge3A = arith.constant 0.000000e+00 : f32
    %ge3A_51 = vector.broadcast %ge3A : f32 to vector<1024x1xf32>
    %ge3A_52 = arith.cmpf oge, %bitcast_convert_type3A_50, %ge3A_51 : vector<1024x1xf32>
    %jit3A_53 = arith.constant 0xFF800000 : f32
    %broadcast_in_dim3A_54 = vector.broadcast %jit3A_53 : f32 to vector<1024x1xf32>
    %select_n3A_55 = arith.select %ge3A_52, %bitcast_convert_type3A_50, %broadcast_in_dim3A_54 : vector<1024x1xi1>, vector<1024x1xf32>
    %and3A_56 = arith.constant 2047 : i32
    %and3A_57 = vector.broadcast %and3A_56 : i32 to vector<1024x1xi32>
    %and3A_58 = arith.andi %broadcast_in_dim3A_34, %and3A_57 : vector<1024x1xi32>
    %sub3A_59 = arith.constant 1999 : i32
    %sub3A_60 = vector.broadcast %sub3A_59 : i32 to vector<1024x1xi32>
    %sub3A_61 = arith.subi %sub3A_60, %and3A_58 : vector<1024x1xi32>
    %add3A = vector.broadcast %mul3A_25 : i32 to vector<1024x1xi32>
    %add3A_62 = arith.addi %sub3A_61, %add3A : vector<1024x1xi32>
    %ge3A_63 = vector.broadcast %select_n3A_55 : vector<1024x1xf32> to vector<1024x5xf32>
    %ge3A_64 = arith.cmpf oge, %get3A_28, %ge3A_63 : vector<1024x5xf32>
    %convert_element_type3A_65 = arith.extui %ge3A_64 : vector<1024x5xi1> to vector<1024x5xi32>
    %reduce_sum3A_66 = arith.constant dense<0> : vector<1024xi32>
    %reduce_sum3A_67 = vector.multi_reduction <add>, %convert_element_type3A_65, %reduce_sum3A_66 [1] : vector<1024x5xi32> to vector<1024xi32>
    %broadcast_in_dim3A_68 = vector.shape_cast %reduce_sum3A_67 : vector<1024xi32> to vector<1024x1xi32>
    %slice3A = vector.extract_strided_slice %get3A_28 {offsets = [0, 0], sizes = [1024, 1], strides = [1, 1]} : vector<1024x5xf32> to vector<1024x1xf32>
    %slice3A_69 = vector.extract_strided_slice %get3A_28 {offsets = [0, 0], sizes = [1024, 4], strides = [1, 1]} : vector<1024x5xf32> to vector<1024x4xf32>
    %concatenate3A = tpu.concatenate %slice3A, %slice3A_69 in 1 : vector<1024x1xf32>, vector<1024x4xf32> -> vector<1024x5xf32>
    %slice3A_70 = vector.extract_strided_slice %get3A_31 {offsets = [0, 0], sizes = [1024, 1], strides = [1, 1]} : vector<1024x5xi32> to vector<1024x1xi32>
    %slice3A_71 = vector.extract_strided_slice %get3A_31 {offsets = [0, 0], sizes = [1024, 4], strides = [1, 1]} : vector<1024x5xi32> to vector<1024x4xi32>
    %concatenate3A_72 = tpu.concatenate %slice3A_70, %slice3A_71 in 1 : vector<1024x1xi32>, vector<1024x4xi32> -> vector<1024x5xi32>
    %lt3A = vector.broadcast %broadcast_in_dim3A_68 : vector<1024x1xi32> to vector<1024x5xi32>
    %lt3A_73 = arith.cmpi slt, %iota3A_32, %lt3A : vector<1024x5xi32>
    %eq3A_74 = vector.broadcast %broadcast_in_dim3A_68 : vector<1024x1xi32> to vector<1024x5xi32>
    %eq3A_75 = arith.cmpi eq, %iota3A_32, %eq3A_74 : vector<1024x5xi32>
    %broadcast_in_dim3A_76 = vector.shape_cast %select_n3A_55 : vector<1024x1xf32> to vector<1024x1xf32>
    %broadcast_in_dim3A_77 = vector.broadcast %broadcast_in_dim3A_76 : vector<1024x1xf32> to vector<1024x5xf32>
    %select_n3A_78 = arith.select %eq3A_75, %broadcast_in_dim3A_77, %concatenate3A : vector<1024x5xi1>, vector<1024x5xf32>
    %select_n3A_79 = arith.select %lt3A_73, %get3A_28, %select_n3A_78 : vector<1024x5xi1>, vector<1024x5xf32>
    %lt3A_80 = vector.broadcast %broadcast_in_dim3A_68 : vector<1024x1xi32> to vector<1024x5xi32>
    %lt3A_81 = arith.cmpi slt, %iota3A_32, %lt3A_80 : vector<1024x5xi32>
    %eq3A_82 = vector.broadcast %broadcast_in_dim3A_68 : vector<1024x1xi32> to vector<1024x5xi32>
    %eq3A_83 = arith.cmpi eq, %iota3A_32, %eq3A_82 : vector<1024x5xi32>
    %broadcast_in_dim3A_84 = vector.shape_cast %add3A_62 : vector<1024x1xi32> to vector<1024x1xi32>
    %broadcast_in_dim3A_85 = vector.broadcast %broadcast_in_dim3A_84 : vector<1024x1xi32> to vector<1024x5xi32>
    %select_n3A_86 = arith.select %eq3A_83, %broadcast_in_dim3A_85, %concatenate3A_72 : vector<1024x5xi1>, vector<1024x5xi32>
    %select_n3A_87 = arith.select %lt3A_81, %get3A_31, %select_n3A_86 : vector<1024x5xi1>, vector<1024x5xi32>
    %reduce_max3A_88 = arith.constant dense<-2147483648> : vector<1024xi32>
    %reduce_max3A_89 = vector.multi_reduction <maxsi>, %select_n3A_39, %reduce_max3A_88 [1] : vector<1024x2000xi32> to vector<1024xi32>
    %broadcast_in_dim3A_90 = vector.shape_cast %reduce_max3A_89 : vector<1024xi32> to vector<1024x1xi32>
    %eq3A_91 = vector.broadcast %broadcast_in_dim3A_90 : vector<1024x1xi32> to vector<1024x2000xi32>
    %eq3A_92 = arith.cmpi eq, %select_n3A_39, %eq3A_91 : vector<1024x2000xi32>
    %jit3A_93 = arith.constant -2147483648 : i32
    %broadcast_in_dim3A_94 = vector.broadcast %jit3A_93 : i32 to vector<1024x2000xi32>
    %select_n3A_95 = arith.select %eq3A_92, %broadcast_in_dim3A_94, %select_n3A_39 : vector<1024x2000xi1>, vector<1024x2000xi32>
    %and3A_96 = arith.constant -2048 : i32
    %and3A_97 = vector.broadcast %and3A_96 : i32 to vector<1024x1xi32>
    %and3A_98 = arith.andi %broadcast_in_dim3A_90, %and3A_97 : vector<1024x1xi32>
    %shift_right_arithmetic3A_99 = arith.constant 31 : i32
    %shift_right_arithmetic3A_100 = vector.broadcast %shift_right_arithmetic3A_99 : i32 to vector<1024x1xi32>
    %shift_right_arithmetic3A_101 = arith.shrsi %and3A_98, %shift_right_arithmetic3A_100 : vector<1024x1xi32>
    %and3A_102 = arith.constant 2147483647 : i32
    %and3A_103 = vector.broadcast %and3A_102 : i32 to vector<1024x1xi32>
    %and3A_104 = arith.andi %shift_right_arithmetic3A_101, %and3A_103 : vector<1024x1xi32>
    %xor3A_105 = arith.xori %and3A_98, %and3A_104 : vector<1024x1xi32>
    %bitcast_convert_type3A_106 = tpu.bitcast %xor3A_105 : vector<1024x1xi32> -> vector<1024x1xf32>
    %ge3A_107 = arith.constant 0.000000e+00 : f32
    %ge3A_108 = vector.broadcast %ge3A_107 : f32 to vector<1024x1xf32>
    %ge3A_109 = arith.cmpf oge, %bitcast_convert_type3A_106, %ge3A_108 : vector<1024x1xf32>
    %jit3A_110 = arith.constant 0xFF800000 : f32
    %broadcast_in_dim3A_111 = vector.broadcast %jit3A_110 : f32 to vector<1024x1xf32>
    %select_n3A_112 = arith.select %ge3A_109, %bitcast_convert_type3A_106, %broadcast_in_dim3A_111 : vector<1024x1xi1>, vector<1024x1xf32>
    %and3A_113 = arith.constant 2047 : i32
    %and3A_114 = vector.broadcast %and3A_113 : i32 to vector<1024x1xi32>
    %and3A_115 = arith.andi %broadcast_in_dim3A_90, %and3A_114 : vector<1024x1xi32>
    %sub3A_116 = arith.constant 1999 : i32
    %sub3A_117 = vector.broadcast %sub3A_116 : i32 to vector<1024x1xi32>
    %sub3A_118 = arith.subi %sub3A_117, %and3A_115 : vector<1024x1xi32>
    %add3A_119 = vector.broadcast %mul3A_25 : i32 to vector<1024x1xi32>
    %add3A_120 = arith.addi %sub3A_118, %add3A_119 : vector<1024x1xi32>
    %ge3A_121 = vector.broadcast %select_n3A_112 : vector<1024x1xf32> to vector<1024x5xf32>
    %ge3A_122 = arith.cmpf oge, %select_n3A_79, %ge3A_121 : vector<1024x5xf32>
    %convert_element_type3A_123 = arith.extui %ge3A_122 : vector<1024x5xi1> to vector<1024x5xi32>
    %reduce_sum3A_124 = arith.constant dense<0> : vector<1024xi32>
    %reduce_sum3A_125 = vector.multi_reduction <add>, %convert_element_type3A_123, %reduce_sum3A_124 [1] : vector<1024x5xi32> to vector<1024xi32>
    %broadcast_in_dim3A_126 = vector.shape_cast %reduce_sum3A_125 : vector<1024xi32> to vector<1024x1xi32>
    %slice3A_127 = vector.extract_strided_slice %select_n3A_79 {offsets = [0, 0], sizes = [1024, 1], strides = [1, 1]} : vector<1024x5xf32> to vector<1024x1xf32>
    %slice3A_128 = vector.extract_strided_slice %select_n3A_79 {offsets = [0, 0], sizes = [1024, 4], strides = [1, 1]} : vector<1024x5xf32> to vector<1024x4xf32>
    %concatenate3A_129 = tpu.concatenate %slice3A_127, %slice3A_128 in 1 : vector<1024x1xf32>, vector<1024x4xf32> -> vector<1024x5xf32>
    %slice3A_130 = vector.extract_strided_slice %select_n3A_87 {offsets = [0, 0], sizes = [1024, 1], strides = [1, 1]} : vector<1024x5xi32> to vector<1024x1xi32>
    %slice3A_131 = vector.extract_strided_slice %select_n3A_87 {offsets = [0, 0], sizes = [1024, 4], strides = [1, 1]} : vector<1024x5xi32> to vector<1024x4xi32>
    %concatenate3A_132 = tpu.concatenate %slice3A_130, %slice3A_131 in 1 : vector<1024x1xi32>, vector<1024x4xi32> -> vector<1024x5xi32>
    %lt3A_133 = vector.broadcast %broadcast_in_dim3A_126 : vector<1024x1xi32> to vector<1024x5xi32>
    %lt3A_134 = arith.cmpi slt, %iota3A_32, %lt3A_133 : vector<1024x5xi32>
    %eq3A_135 = vector.broadcast %broadcast_in_dim3A_126 : vector<1024x1xi32> to vector<1024x5xi32>
    %eq3A_136 = arith.cmpi eq, %iota3A_32, %eq3A_135 : vector<1024x5xi32>
    %broadcast_in_dim3A_137 = vector.shape_cast %select_n3A_112 : vector<1024x1xf32> to vector<1024x1xf32>
    %broadcast_in_dim3A_138 = vector.broadcast %broadcast_in_dim3A_137 : vector<1024x1xf32> to vector<1024x5xf32>
    %select_n3A_139 = arith.select %eq3A_136, %broadcast_in_dim3A_138, %concatenate3A_129 : vector<1024x5xi1>, vector<1024x5xf32>
    %select_n3A_140 = arith.select %lt3A_134, %select_n3A_79, %select_n3A_139 : vector<1024x5xi1>, vector<1024x5xf32>
    %lt3A_141 = vector.broadcast %broadcast_in_dim3A_126 : vector<1024x1xi32> to vector<1024x5xi32>
    %lt3A_142 = arith.cmpi slt, %iota3A_32, %lt3A_141 : vector<1024x5xi32>
    %eq3A_143 = vector.broadcast %broadcast_in_dim3A_126 : vector<1024x1xi32> to vector<1024x5xi32>
    %eq3A_144 = arith.cmpi eq, %iota3A_32, %eq3A_143 : vector<1024x5xi32>
    %broadcast_in_dim3A_145 = vector.shape_cast %add3A_120 : vector<1024x1xi32> to vector<1024x1xi32>
    %broadcast_in_dim3A_146 = vector.broadcast %broadcast_in_dim3A_145 : vector<1024x1xi32> to vector<1024x5xi32>
    %select_n3A_147 = arith.select %eq3A_144, %broadcast_in_dim3A_146, %concatenate3A_132 : vector<1024x5xi1>, vector<1024x5xi32>
    %select_n3A_148 = arith.select %lt3A_142, %select_n3A_87, %select_n3A_147 : vector<1024x5xi1>, vector<1024x5xi32>
    %reduce_max3A_149 = arith.constant dense<-2147483648> : vector<1024xi32>
    %reduce_max3A_150 = vector.multi_reduction <maxsi>, %select_n3A_95, %reduce_max3A_149 [1] : vector<1024x2000xi32> to vector<1024xi32>
    %broadcast_in_dim3A_151 = vector.shape_cast %reduce_max3A_150 : vector<1024xi32> to vector<1024x1xi32>
    %eq3A_152 = vector.broadcast %broadcast_in_dim3A_151 : vector<1024x1xi32> to vector<1024x2000xi32>
    %eq3A_153 = arith.cmpi eq, %select_n3A_95, %eq3A_152 : vector<1024x2000xi32>
    %jit3A_154 = arith.constant -2147483648 : i32
    %broadcast_in_dim3A_155 = vector.broadcast %jit3A_154 : i32 to vector<1024x2000xi32>
    %select_n3A_156 = arith.select %eq3A_153, %broadcast_in_dim3A_155, %select_n3A_95 : vector<1024x2000xi1>, vector<1024x2000xi32>
    %and3A_157 = arith.constant -2048 : i32
    %and3A_158 = vector.broadcast %and3A_157 : i32 to vector<1024x1xi32>
    %and3A_159 = arith.andi %broadcast_in_dim3A_151, %and3A_158 : vector<1024x1xi32>
    %shift_right_arithmetic3A_160 = arith.constant 31 : i32
    %shift_right_arithmetic3A_161 = vector.broadcast %shift_right_arithmetic3A_160 : i32 to vector<1024x1xi32>
    %shift_right_arithmetic3A_162 = arith.shrsi %and3A_159, %shift_right_arithmetic3A_161 : vector<1024x1xi32>
    %and3A_163 = arith.constant 2147483647 : i32
    %and3A_164 = vector.broadcast %and3A_163 : i32 to vector<1024x1xi32>
    %and3A_165 = arith.andi %shift_right_arithmetic3A_162, %and3A_164 : vector<1024x1xi32>
    %xor3A_166 = arith.xori %and3A_159, %and3A_165 : vector<1024x1xi32>
    %bitcast_convert_type3A_167 = tpu.bitcast %xor3A_166 : vector<1024x1xi32> -> vector<1024x1xf32>
    %ge3A_168 = arith.constant 0.000000e+00 : f32
    %ge3A_169 = vector.broadcast %ge3A_168 : f32 to vector<1024x1xf32>
    %ge3A_170 = arith.cmpf oge, %bitcast_convert_type3A_167, %ge3A_169 : vector<1024x1xf32>
    %jit3A_171 = arith.constant 0xFF800000 : f32
    %broadcast_in_dim3A_172 = vector.broadcast %jit3A_171 : f32 to vector<1024x1xf32>
    %select_n3A_173 = arith.select %ge3A_170, %bitcast_convert_type3A_167, %broadcast_in_dim3A_172 : vector<1024x1xi1>, vector<1024x1xf32>
    %and3A_174 = arith.constant 2047 : i32
    %and3A_175 = vector.broadcast %and3A_174 : i32 to vector<1024x1xi32>
    %and3A_176 = arith.andi %broadcast_in_dim3A_151, %and3A_175 : vector<1024x1xi32>
    %sub3A_177 = arith.constant 1999 : i32
    %sub3A_178 = vector.broadcast %sub3A_177 : i32 to vector<1024x1xi32>
    %sub3A_179 = arith.subi %sub3A_178, %and3A_176 : vector<1024x1xi32>
    %add3A_180 = vector.broadcast %mul3A_25 : i32 to vector<1024x1xi32>
    %add3A_181 = arith.addi %sub3A_179, %add3A_180 : vector<1024x1xi32>
    %ge3A_182 = vector.broadcast %select_n3A_173 : vector<1024x1xf32> to vector<1024x5xf32>
    %ge3A_183 = arith.cmpf oge, %select_n3A_140, %ge3A_182 : vector<1024x5xf32>
    %convert_element_type3A_184 = arith.extui %ge3A_183 : vector<1024x5xi1> to vector<1024x5xi32>
    %reduce_sum3A_185 = arith.constant dense<0> : vector<1024xi32>
    %reduce_sum3A_186 = vector.multi_reduction <add>, %convert_element_type3A_184, %reduce_sum3A_185 [1] : vector<1024x5xi32> to vector<1024xi32>
    %broadcast_in_dim3A_187 = vector.shape_cast %reduce_sum3A_186 : vector<1024xi32> to vector<1024x1xi32>
    %slice3A_188 = vector.extract_strided_slice %select_n3A_140 {offsets = [0, 0], sizes = [1024, 1], strides = [1, 1]} : vector<1024x5xf32> to vector<1024x1xf32>
    %slice3A_189 = vector.extract_strided_slice %select_n3A_140 {offsets = [0, 0], sizes = [1024, 4], strides = [1, 1]} : vector<1024x5xf32> to vector<1024x4xf32>
    %concatenate3A_190 = tpu.concatenate %slice3A_188, %slice3A_189 in 1 : vector<1024x1xf32>, vector<1024x4xf32> -> vector<1024x5xf32>
    %slice3A_191 = vector.extract_strided_slice %select_n3A_148 {offsets = [0, 0], sizes = [1024, 1], strides = [1, 1]} : vector<1024x5xi32> to vector<1024x1xi32>
    %slice3A_192 = vector.extract_strided_slice %select_n3A_148 {offsets = [0, 0], sizes = [1024, 4], strides = [1, 1]} : vector<1024x5xi32> to vector<1024x4xi32>
    %concatenate3A_193 = tpu.concatenate %slice3A_191, %slice3A_192 in 1 : vector<1024x1xi32>, vector<1024x4xi32> -> vector<1024x5xi32>
    %lt3A_194 = vector.broadcast %broadcast_in_dim3A_187 : vector<1024x1xi32> to vector<1024x5xi32>
    %lt3A_195 = arith.cmpi slt, %iota3A_32, %lt3A_194 : vector<1024x5xi32>
    %eq3A_196 = vector.broadcast %broadcast_in_dim3A_187 : vector<1024x1xi32> to vector<1024x5xi32>
    %eq3A_197 = arith.cmpi eq, %iota3A_32, %eq3A_196 : vector<1024x5xi32>
    %broadcast_in_dim3A_198 = vector.shape_cast %select_n3A_173 : vector<1024x1xf32> to vector<1024x1xf32>
    %broadcast_in_dim3A_199 = vector.broadcast %broadcast_in_dim3A_198 : vector<1024x1xf32> to vector<1024x5xf32>
    %select_n3A_200 = arith.select %eq3A_197, %broadcast_in_dim3A_199, %concatenate3A_190 : vector<1024x5xi1>, vector<1024x5xf32>
    %select_n3A_201 = arith.select %lt3A_195, %select_n3A_140, %select_n3A_200 : vector<1024x5xi1>, vector<1024x5xf32>
    %lt3A_202 = vector.broadcast %broadcast_in_dim3A_187 : vector<1024x1xi32> to vector<1024x5xi32>
    %lt3A_203 = arith.cmpi slt, %iota3A_32, %lt3A_202 : vector<1024x5xi32>
    %eq3A_204 = vector.broadcast %broadcast_in_dim3A_187 : vector<1024x1xi32> to vector<1024x5xi32>
    %eq3A_205 = arith.cmpi eq, %iota3A_32, %eq3A_204 : vector<1024x5xi32>
    %broadcast_in_dim3A_206 = vector.shape_cast %add3A_181 : vector<1024x1xi32> to vector<1024x1xi32>
    %broadcast_in_dim3A_207 = vector.broadcast %broadcast_in_dim3A_206 : vector<1024x1xi32> to vector<1024x5xi32>
    %select_n3A_208 = arith.select %eq3A_205, %broadcast_in_dim3A_207, %concatenate3A_193 : vector<1024x5xi1>, vector<1024x5xi32>
    %select_n3A_209 = arith.select %lt3A_203, %select_n3A_148, %select_n3A_208 : vector<1024x5xi1>, vector<1024x5xi32>
    %reduce_max3A_210 = arith.constant dense<-2147483648> : vector<1024xi32>
    %reduce_max3A_211 = vector.multi_reduction <maxsi>, %select_n3A_156, %reduce_max3A_210 [1] : vector<1024x2000xi32> to vector<1024xi32>
    %broadcast_in_dim3A_212 = vector.shape_cast %reduce_max3A_211 : vector<1024xi32> to vector<1024x1xi32>
    %eq3A_213 = vector.broadcast %broadcast_in_dim3A_212 : vector<1024x1xi32> to vector<1024x2000xi32>
    %eq3A_214 = arith.cmpi eq, %select_n3A_156, %eq3A_213 : vector<1024x2000xi32>
    %jit3A_215 = arith.constant -2147483648 : i32
    %broadcast_in_dim3A_216 = vector.broadcast %jit3A_215 : i32 to vector<1024x2000xi32>
    %select_n3A_217 = arith.select %eq3A_214, %broadcast_in_dim3A_216, %select_n3A_156 : vector<1024x2000xi1>, vector<1024x2000xi32>
    %and3A_218 = arith.constant -2048 : i32
    %and3A_219 = vector.broadcast %and3A_218 : i32 to vector<1024x1xi32>
    %and3A_220 = arith.andi %broadcast_in_dim3A_212, %and3A_219 : vector<1024x1xi32>
    %shift_right_arithmetic3A_221 = arith.constant 31 : i32
    %shift_right_arithmetic3A_222 = vector.broadcast %shift_right_arithmetic3A_221 : i32 to vector<1024x1xi32>
    %shift_right_arithmetic3A_223 = arith.shrsi %and3A_220, %shift_right_arithmetic3A_222 : vector<1024x1xi32>
    %and3A_224 = arith.constant 2147483647 : i32
    %and3A_225 = vector.broadcast %and3A_224 : i32 to vector<1024x1xi32>
    %and3A_226 = arith.andi %shift_right_arithmetic3A_223, %and3A_225 : vector<1024x1xi32>
    %xor3A_227 = arith.xori %and3A_220, %and3A_226 : vector<1024x1xi32>
    %bitcast_convert_type3A_228 = tpu.bitcast %xor3A_227 : vector<1024x1xi32> -> vector<1024x1xf32>
    %ge3A_229 = arith.constant 0.000000e+00 : f32
    %ge3A_230 = vector.broadcast %ge3A_229 : f32 to vector<1024x1xf32>
    %ge3A_231 = arith.cmpf oge, %bitcast_convert_type3A_228, %ge3A_230 : vector<1024x1xf32>
    %jit3A_232 = arith.constant 0xFF800000 : f32
    %broadcast_in_dim3A_233 = vector.broadcast %jit3A_232 : f32 to vector<1024x1xf32>
    %select_n3A_234 = arith.select %ge3A_231, %bitcast_convert_type3A_228, %broadcast_in_dim3A_233 : vector<1024x1xi1>, vector<1024x1xf32>
    %and3A_235 = arith.constant 2047 : i32
    %and3A_236 = vector.broadcast %and3A_235 : i32 to vector<1024x1xi32>
    %and3A_237 = arith.andi %broadcast_in_dim3A_212, %and3A_236 : vector<1024x1xi32>
    %sub3A_238 = arith.constant 1999 : i32
    %sub3A_239 = vector.broadcast %sub3A_238 : i32 to vector<1024x1xi32>
    %sub3A_240 = arith.subi %sub3A_239, %and3A_237 : vector<1024x1xi32>
    %add3A_241 = vector.broadcast %mul3A_25 : i32 to vector<1024x1xi32>
    %add3A_242 = arith.addi %sub3A_240, %add3A_241 : vector<1024x1xi32>
    %ge3A_243 = vector.broadcast %select_n3A_234 : vector<1024x1xf32> to vector<1024x5xf32>
    %ge3A_244 = arith.cmpf oge, %select_n3A_201, %ge3A_243 : vector<1024x5xf32>
    %convert_element_type3A_245 = arith.extui %ge3A_244 : vector<1024x5xi1> to vector<1024x5xi32>
    %reduce_sum3A_246 = arith.constant dense<0> : vector<1024xi32>
    %reduce_sum3A_247 = vector.multi_reduction <add>, %convert_element_type3A_245, %reduce_sum3A_246 [1] : vector<1024x5xi32> to vector<1024xi32>
    %broadcast_in_dim3A_248 = vector.shape_cast %reduce_sum3A_247 : vector<1024xi32> to vector<1024x1xi32>
    %slice3A_249 = vector.extract_strided_slice %select_n3A_201 {offsets = [0, 0], sizes = [1024, 1], strides = [1, 1]} : vector<1024x5xf32> to vector<1024x1xf32>
    %slice3A_250 = vector.extract_strided_slice %select_n3A_201 {offsets = [0, 0], sizes = [1024, 4], strides = [1, 1]} : vector<1024x5xf32> to vector<1024x4xf32>
    %concatenate3A_251 = tpu.concatenate %slice3A_249, %slice3A_250 in 1 : vector<1024x1xf32>, vector<1024x4xf32> -> vector<1024x5xf32>
    %slice3A_252 = vector.extract_strided_slice %select_n3A_209 {offsets = [0, 0], sizes = [1024, 1], strides = [1, 1]} : vector<1024x5xi32> to vector<1024x1xi32>
    %slice3A_253 = vector.extract_strided_slice %select_n3A_209 {offsets = [0, 0], sizes = [1024, 4], strides = [1, 1]} : vector<1024x5xi32> to vector<1024x4xi32>
    %concatenate3A_254 = tpu.concatenate %slice3A_252, %slice3A_253 in 1 : vector<1024x1xi32>, vector<1024x4xi32> -> vector<1024x5xi32>
    %lt3A_255 = vector.broadcast %broadcast_in_dim3A_248 : vector<1024x1xi32> to vector<1024x5xi32>
    %lt3A_256 = arith.cmpi slt, %iota3A_32, %lt3A_255 : vector<1024x5xi32>
    %eq3A_257 = vector.broadcast %broadcast_in_dim3A_248 : vector<1024x1xi32> to vector<1024x5xi32>
    %eq3A_258 = arith.cmpi eq, %iota3A_32, %eq3A_257 : vector<1024x5xi32>
    %broadcast_in_dim3A_259 = vector.shape_cast %select_n3A_234 : vector<1024x1xf32> to vector<1024x1xf32>
    %broadcast_in_dim3A_260 = vector.broadcast %broadcast_in_dim3A_259 : vector<1024x1xf32> to vector<1024x5xf32>
    %select_n3A_261 = arith.select %eq3A_258, %broadcast_in_dim3A_260, %concatenate3A_251 : vector<1024x5xi1>, vector<1024x5xf32>
    %select_n3A_262 = arith.select %lt3A_256, %select_n3A_201, %select_n3A_261 : vector<1024x5xi1>, vector<1024x5xf32>
    %lt3A_263 = vector.broadcast %broadcast_in_dim3A_248 : vector<1024x1xi32> to vector<1024x5xi32>
    %lt3A_264 = arith.cmpi slt, %iota3A_32, %lt3A_263 : vector<1024x5xi32>
    %eq3A_265 = vector.broadcast %broadcast_in_dim3A_248 : vector<1024x1xi32> to vector<1024x5xi32>
    %eq3A_266 = arith.cmpi eq, %iota3A_32, %eq3A_265 : vector<1024x5xi32>
    %broadcast_in_dim3A_267 = vector.shape_cast %add3A_242 : vector<1024x1xi32> to vector<1024x1xi32>
    %broadcast_in_dim3A_268 = vector.broadcast %broadcast_in_dim3A_267 : vector<1024x1xi32> to vector<1024x5xi32>
    %select_n3A_269 = arith.select %eq3A_266, %broadcast_in_dim3A_268, %concatenate3A_254 : vector<1024x5xi1>, vector<1024x5xi32>
    %select_n3A_270 = arith.select %lt3A_264, %select_n3A_209, %select_n3A_269 : vector<1024x5xi1>, vector<1024x5xi32>
    %reduce_max3A_271 = arith.constant dense<-2147483648> : vector<1024xi32>
    %reduce_max3A_272 = vector.multi_reduction <maxsi>, %select_n3A_217, %reduce_max3A_271 [1] : vector<1024x2000xi32> to vector<1024xi32>
    %broadcast_in_dim3A_273 = vector.shape_cast %reduce_max3A_272 : vector<1024xi32> to vector<1024x1xi32>
    %and3A_274 = arith.constant -2048 : i32
    %and3A_275 = vector.broadcast %and3A_274 : i32 to vector<1024x1xi32>
    %and3A_276 = arith.andi %broadcast_in_dim3A_273, %and3A_275 : vector<1024x1xi32>
    %shift_right_arithmetic3A_277 = arith.constant 31 : i32
    %shift_right_arithmetic3A_278 = vector.broadcast %shift_right_arithmetic3A_277 : i32 to vector<1024x1xi32>
    %shift_right_arithmetic3A_279 = arith.shrsi %and3A_276, %shift_right_arithmetic3A_278 : vector<1024x1xi32>
    %and3A_280 = arith.constant 2147483647 : i32
    %and3A_281 = vector.broadcast %and3A_280 : i32 to vector<1024x1xi32>
    %and3A_282 = arith.andi %shift_right_arithmetic3A_279, %and3A_281 : vector<1024x1xi32>
    %xor3A_283 = arith.xori %and3A_276, %and3A_282 : vector<1024x1xi32>
    %bitcast_convert_type3A_284 = tpu.bitcast %xor3A_283 : vector<1024x1xi32> -> vector<1024x1xf32>
    %ge3A_285 = arith.constant 0.000000e+00 : f32
    %ge3A_286 = vector.broadcast %ge3A_285 : f32 to vector<1024x1xf32>
    %ge3A_287 = arith.cmpf oge, %bitcast_convert_type3A_284, %ge3A_286 : vector<1024x1xf32>
    %jit3A_288 = arith.constant 0xFF800000 : f32
    %broadcast_in_dim3A_289 = vector.broadcast %jit3A_288 : f32 to vector<1024x1xf32>
    %select_n3A_290 = arith.select %ge3A_287, %bitcast_convert_type3A_284, %broadcast_in_dim3A_289 : vector<1024x1xi1>, vector<1024x1xf32>
    %and3A_291 = arith.constant 2047 : i32
    %and3A_292 = vector.broadcast %and3A_291 : i32 to vector<1024x1xi32>
    %and3A_293 = arith.andi %broadcast_in_dim3A_273, %and3A_292 : vector<1024x1xi32>
    %sub3A_294 = arith.constant 1999 : i32
    %sub3A_295 = vector.broadcast %sub3A_294 : i32 to vector<1024x1xi32>
    %sub3A_296 = arith.subi %sub3A_295, %and3A_293 : vector<1024x1xi32>
    %add3A_297 = vector.broadcast %mul3A_25 : i32 to vector<1024x1xi32>
    %add3A_298 = arith.addi %sub3A_296, %add3A_297 : vector<1024x1xi32>
    %ge3A_299 = vector.broadcast %select_n3A_290 : vector<1024x1xf32> to vector<1024x5xf32>
    %ge3A_300 = arith.cmpf oge, %select_n3A_262, %ge3A_299 : vector<1024x5xf32>
    %convert_element_type3A_301 = arith.extui %ge3A_300 : vector<1024x5xi1> to vector<1024x5xi32>
    %reduce_sum3A_302 = arith.constant dense<0> : vector<1024xi32>
    %reduce_sum3A_303 = vector.multi_reduction <add>, %convert_element_type3A_301, %reduce_sum3A_302 [1] : vector<1024x5xi32> to vector<1024xi32>
    %broadcast_in_dim3A_304 = vector.shape_cast %reduce_sum3A_303 : vector<1024xi32> to vector<1024x1xi32>
    %slice3A_305 = vector.extract_strided_slice %select_n3A_262 {offsets = [0, 0], sizes = [1024, 1], strides = [1, 1]} : vector<1024x5xf32> to vector<1024x1xf32>
    %slice3A_306 = vector.extract_strided_slice %select_n3A_262 {offsets = [0, 0], sizes = [1024, 4], strides = [1, 1]} : vector<1024x5xf32> to vector<1024x4xf32>
    %concatenate3A_307 = tpu.concatenate %slice3A_305, %slice3A_306 in 1 : vector<1024x1xf32>, vector<1024x4xf32> -> vector<1024x5xf32>
    %slice3A_308 = vector.extract_strided_slice %select_n3A_270 {offsets = [0, 0], sizes = [1024, 1], strides = [1, 1]} : vector<1024x5xi32> to vector<1024x1xi32>
    %slice3A_309 = vector.extract_strided_slice %select_n3A_270 {offsets = [0, 0], sizes = [1024, 4], strides = [1, 1]} : vector<1024x5xi32> to vector<1024x4xi32>
    %concatenate3A_310 = tpu.concatenate %slice3A_308, %slice3A_309 in 1 : vector<1024x1xi32>, vector<1024x4xi32> -> vector<1024x5xi32>
    %lt3A_311 = vector.broadcast %broadcast_in_dim3A_304 : vector<1024x1xi32> to vector<1024x5xi32>
    %lt3A_312 = arith.cmpi slt, %iota3A_32, %lt3A_311 : vector<1024x5xi32>
    %eq3A_313 = vector.broadcast %broadcast_in_dim3A_304 : vector<1024x1xi32> to vector<1024x5xi32>
    %eq3A_314 = arith.cmpi eq, %iota3A_32, %eq3A_313 : vector<1024x5xi32>
    %broadcast_in_dim3A_315 = vector.shape_cast %select_n3A_290 : vector<1024x1xf32> to vector<1024x1xf32>
    %broadcast_in_dim3A_316 = vector.broadcast %broadcast_in_dim3A_315 : vector<1024x1xf32> to vector<1024x5xf32>
    %select_n3A_317 = arith.select %eq3A_314, %broadcast_in_dim3A_316, %concatenate3A_307 : vector<1024x5xi1>, vector<1024x5xf32>
    %select_n3A_318 = arith.select %lt3A_312, %select_n3A_262, %select_n3A_317 : vector<1024x5xi1>, vector<1024x5xf32>
    %lt3A_319 = vector.broadcast %broadcast_in_dim3A_304 : vector<1024x1xi32> to vector<1024x5xi32>
    %lt3A_320 = arith.cmpi slt, %iota3A_32, %lt3A_319 : vector<1024x5xi32>
    %eq3A_321 = vector.broadcast %broadcast_in_dim3A_304 : vector<1024x1xi32> to vector<1024x5xi32>
    %eq3A_322 = arith.cmpi eq, %iota3A_32, %eq3A_321 : vector<1024x5xi32>
    %broadcast_in_dim3A_323 = vector.shape_cast %add3A_298 : vector<1024x1xi32> to vector<1024x1xi32>
    %broadcast_in_dim3A_324 = vector.broadcast %broadcast_in_dim3A_323 : vector<1024x1xi32> to vector<1024x5xi32>
    %select_n3A_325 = arith.select %eq3A_322, %broadcast_in_dim3A_324, %concatenate3A_310 : vector<1024x5xi1>, vector<1024x5xi32>
    %select_n3A_326 = arith.select %lt3A_320, %select_n3A_270, %select_n3A_325 : vector<1024x5xi1>, vector<1024x5xi32>
    %swap3A = arith.constant 0 : index
    %swap3A_327 = arith.constant 0 : index
    %swap3A_328 = vector.load %arg3[%swap3A, %swap3A_327] : memref<1024x5xf32, #tpu.memory_space<vmem>>, vector<1024x5xf32>
    tpu.vector_store %arg3[%swap3A, %swap3A_327], %select_n3A_318 {strides = array<i32>} : memref<1024x5xf32, #tpu.memory_space<vmem>>, vector<1024x5xf32>,
    %swap3A_329 = arith.constant 0 : index
    %swap3A_330 = arith.constant 0 : index
    %swap3A_331 = vector.load %arg4[%swap3A_329, %swap3A_330] : memref<1024x5xi32, #tpu.memory_space<vmem>>, vector<1024x5xi32>
    tpu.vector_store %arg4[%swap3A_329, %swap3A_330], %select_n3A_326 {strides = array<i32>} : memref<1024x5xi32, #tpu.memory_space<vmem>>, vector<1024x5xi32>,
    return
  }
  func.func @transform_0(%arg0: i32) -> (i32, i32) {
    %c0_i32 = arith.constant 0 : i32
    %c0_i32_0 = arith.constant 0 : i32
    %c0_i32_1 = arith.constant 0 : i32
    return %c0_i32, %c0_i32_0 : i32, i32
  }
  func.func @transform_1(%arg0: i32) -> (i32, i32) {
    %c0_i32 = arith.constant 0 : i32
    %c0_i32_0 = arith.constant 0 : i32
    return %arg0, %c0_i32 : i32, i32
  }
  func.func @transform_2(%arg0: i32) -> (i32, i32) {
    %c0_i32 = arith.constant 0 : i32
    %c0_i32_0 = arith.constant 0 : i32
    %c0_i32_1 = arith.constant 0 : i32
    return %c0_i32, %c0_i32_0 : i32, i32
  }
  func.func @transform_3(%arg0: i32) -> (i32, i32) {
    %c0_i32 = arith.constant 0 : i32
    %c0_i32_0 = arith.constant 0 : i32
    %c0_i32_1 = arith.constant 0 : i32
    return %c0_i32, %c0_i32_0 : i32, i32
  }
}

module attributes {stable_mosaic.version = 14 : i64} {
  func.func @_attn_body(%arg0: memref<1024x512xf32, #tpu.memory_space<vmem>>, %arg1: memref<5120x512xf32, #tpu.memory_space<vmem>>, %arg2: memref<1024x5xf32, #tpu.memory_space<vmem>>, %arg3: memref<512x512xf32, #tpu.memory_space<vmem>>, %arg4: memref<1x512xf32, #tpu.memory_space<vmem>>, %arg5: memref<512x512xf32, #tpu.memory_space<vmem>>, %arg6: memref<1x512xf32, #tpu.memory_space<vmem>>, %arg7: memref<512x512xf32, #tpu.memory_space<vmem>>, %arg8: memref<1x512xf32, #tpu.memory_space<vmem>>, %arg9: memref<512x512xf32, #tpu.memory_space<vmem>>, %arg10: memref<1x512xf32, #tpu.memory_space<vmem>>, %arg11: memref<1x512xf32, #tpu.memory_space<vmem>>, %arg12: memref<1x512xf32, #tpu.memory_space<vmem>>, %arg13: memref<1x1xf32, #tpu.memory_space<vmem>>, %arg14: memref<1x512xf32, #tpu.memory_space<vmem>>, %arg15: memref<1x512xf32, #tpu.memory_space<vmem>>, %arg16: memref<1024x512xf32, #tpu.memory_space<vmem>>) attributes {dimension_semantics = [], scalar_prefetch = 0 : i64, scratch_operands = 0 : i64, tpu.core_type = #tpu.core_type<tc>} {
    %get3A = arith.constant 0 : index
    %get3A_0 = arith.constant 0 : index
    %get3A_1 = vector.load %arg0[%get3A, %get3A_0] : memref<1024x512xf32, #tpu.memory_space<vmem>>, vector<1024x512xf32>
    %mul3A = arith.mulf %get3A_1, %get3A_1 : vector<1024x512xf32>
    %reduce_sum3A = arith.constant dense<0.000000e+00> : vector<1024xf32>
    %reduce_sum3A_2 = vector.multi_reduction <add>, %mul3A, %reduce_sum3A [1] : vector<1024x512xf32> to vector<1024xf32>
    %broadcast_in_dim3A = vector.shape_cast %reduce_sum3A_2 : vector<1024xf32> to vector<1024x1xf32>
    %sqrt3A = math.sqrt %broadcast_in_dim3A : vector<1024x1xf32>
    %max3A = arith.constant 9.99999996E-13 : f32
    %max3A_3 = vector.broadcast %max3A : f32 to vector<1024x1xf32>
    %max3A_4 = arith.maximumf %sqrt3A, %max3A_3 : vector<1024x1xf32>
    %div3A = vector.broadcast %max3A_4 : vector<1024x1xf32> to vector<1024x512xf32>
    %div3A_5 = arith.divf %get3A_1, %div3A : vector<1024x512xf32>
    %get3A_6 = arith.constant 0 : index
    %get3A_7 = arith.constant 0 : index
    %get3A_8 = vector.load %arg3[%get3A_6, %get3A_7] : memref<512x512xf32, #tpu.memory_space<vmem>>, vector<512x512xf32>
    %dot_general3A = arith.constant dense<0.000000e+00> : vector<1024x512xf32>
    %dot_general3A_9 = tpu.matmul %get3A_1, %get3A_8, %dot_general3A {dimension_numbers = #tpu.dot_dimension_numbers<[1], [0], [0], [1], [0, 0, 1, 1], [], []>, transpose_lhs_hint = false} : vector<1024x512xf32>, vector<512x512xf32>, vector<1024x512xf32> -> vector<1024x512xf32>
    %get3A_10 = arith.constant 0 : index
    %get3A_11 = arith.constant 0 : index
    %get3A_12 = vector.load %arg4[%get3A_10, %get3A_11] : memref<1x512xf32, #tpu.memory_space<vmem>>, vector<1x512xf32>
    %add3A = vector.broadcast %get3A_12 : vector<1x512xf32> to vector<1024x512xf32>
    %add3A_13 = arith.addf %dot_general3A_9, %add3A : vector<1024x512xf32>
    %get3A_14 = arith.constant 0 : index
    %get3A_15 = arith.constant 0 : index
    %get3A_16 = vector.load %arg2[%get3A_14, %get3A_15] : memref<1024x5xf32, #tpu.memory_space<vmem>>, vector<1024x5xf32>
    %gt3A = arith.constant 0xFF800000 : f32
    %gt3A_17 = vector.broadcast %gt3A : f32 to vector<1024x5xf32>
    %gt3A_18 = arith.cmpf ogt, %get3A_16, %gt3A_17 : vector<1024x5xf32>
    %get3A_19 = arith.constant 0 : index
    %get3A_20 = arith.constant 0 : index
    %get3A_21 = vector.load %arg1[%get3A_19, %get3A_20] : memref<5120x512xf32, #tpu.memory_space<vmem>>, vector<1024x512xf32>
    %mul3A_22 = arith.mulf %get3A_21, %get3A_21 : vector<1024x512xf32>
    %reduce_sum3A_23 = arith.constant dense<0.000000e+00> : vector<1024xf32>
    %reduce_sum3A_24 = vector.multi_reduction <add>, %mul3A_22, %reduce_sum3A_23 [1] : vector<1024x512xf32> to vector<1024xf32>
    %broadcast_in_dim3A_25 = vector.shape_cast %reduce_sum3A_24 : vector<1024xf32> to vector<1024x1xf32>
    %sqrt3A_26 = math.sqrt %broadcast_in_dim3A_25 : vector<1024x1xf32>
    %max3A_27 = arith.constant 9.99999996E-13 : f32
    %max3A_28 = vector.broadcast %max3A_27 : f32 to vector<1024x1xf32>
    %max3A_29 = arith.maximumf %sqrt3A_26, %max3A_28 : vector<1024x1xf32>
    %div3A_30 = vector.broadcast %max3A_29 : vector<1024x1xf32> to vector<1024x512xf32>
    %div3A_31 = arith.divf %get3A_21, %div3A_30 : vector<1024x512xf32>
    %mul3A_32 = arith.mulf %div3A_5, %div3A_31 : vector<1024x512xf32>
    %reduce_sum3A_33 = arith.constant dense<0.000000e+00> : vector<1024xf32>
    %reduce_sum3A_34 = vector.multi_reduction <add>, %mul3A_32, %reduce_sum3A_33 [1] : vector<1024x512xf32> to vector<1024xf32>
    %broadcast_in_dim3A_35 = vector.shape_cast %reduce_sum3A_34 : vector<1024xf32> to vector<1024x1xf32>
    %get3A_36 = arith.constant 0 : index
    %get3A_37 = arith.constant 0 : index
    %get3A_38 = vector.load %arg5[%get3A_36, %get3A_37] : memref<512x512xf32, #tpu.memory_space<vmem>>, vector<512x512xf32>
    %dot_general3A_39 = arith.constant dense<0.000000e+00> : vector<1024x512xf32>
    %dot_general3A_40 = tpu.matmul %div3A_31, %get3A_38, %dot_general3A_39 {dimension_numbers = #tpu.dot_dimension_numbers<[1], [0], [0], [1], [0, 0, 1, 1], [], []>, transpose_lhs_hint = false} : vector<1024x512xf32>, vector<512x512xf32>, vector<1024x512xf32> -> vector<1024x512xf32>
    %get3A_41 = arith.constant 0 : index
    %get3A_42 = arith.constant 0 : index
    %get3A_43 = vector.load %arg6[%get3A_41, %get3A_42] : memref<1x512xf32, #tpu.memory_space<vmem>>, vector<1x512xf32>
    %add3A_44 = vector.broadcast %get3A_43 : vector<1x512xf32> to vector<1024x512xf32>
    %add3A_45 = arith.addf %dot_general3A_40, %add3A_44 : vector<1024x512xf32>
    %mul3A_46 = arith.mulf %add3A_13, %add3A_45 : vector<1024x512xf32>
    %reduce_sum3A_47 = arith.constant dense<0.000000e+00> : vector<1024xf32>
    %reduce_sum3A_48 = vector.multi_reduction <add>, %mul3A_46, %reduce_sum3A_47 [1] : vector<1024x512xf32> to vector<1024xf32>
    %broadcast_in_dim3A_49 = vector.shape_cast %reduce_sum3A_48 : vector<1024xf32> to vector<1024x1xf32>
    %mul3A_50 = arith.constant 0.0441941731 : f32
    %mul3A_51 = vector.broadcast %mul3A_50 : f32 to vector<1024x1xf32>
    %mul3A_52 = arith.mulf %broadcast_in_dim3A_49, %mul3A_51 : vector<1024x1xf32>
    %get3A_53 = arith.constant 1024 : index
    %get3A_54 = arith.constant 0 : index
    %get3A_55 = vector.load %arg1[%get3A_53, %get3A_54] : memref<5120x512xf32, #tpu.memory_space<vmem>>, vector<1024x512xf32>
    %mul3A_56 = arith.mulf %get3A_55, %get3A_55 : vector<1024x512xf32>
    %reduce_sum3A_57 = arith.constant dense<0.000000e+00> : vector<1024xf32>
    %reduce_sum3A_58 = vector.multi_reduction <add>, %mul3A_56, %reduce_sum3A_57 [1] : vector<1024x512xf32> to vector<1024xf32>
    %broadcast_in_dim3A_59 = vector.shape_cast %reduce_sum3A_58 : vector<1024xf32> to vector<1024x1xf32>
    %sqrt3A_60 = math.sqrt %broadcast_in_dim3A_59 : vector<1024x1xf32>
    %max3A_61 = arith.constant 9.99999996E-13 : f32
    %max3A_62 = vector.broadcast %max3A_61 : f32 to vector<1024x1xf32>
    %max3A_63 = arith.maximumf %sqrt3A_60, %max3A_62 : vector<1024x1xf32>
    %div3A_64 = vector.broadcast %max3A_63 : vector<1024x1xf32> to vector<1024x512xf32>
    %div3A_65 = arith.divf %get3A_55, %div3A_64 : vector<1024x512xf32>
    %mul3A_66 = arith.mulf %div3A_5, %div3A_65 : vector<1024x512xf32>
    %reduce_sum3A_67 = arith.constant dense<0.000000e+00> : vector<1024xf32>
    %reduce_sum3A_68 = vector.multi_reduction <add>, %mul3A_66, %reduce_sum3A_67 [1] : vector<1024x512xf32> to vector<1024xf32>
    %broadcast_in_dim3A_69 = vector.shape_cast %reduce_sum3A_68 : vector<1024xf32> to vector<1024x1xf32>
    %get3A_70 = arith.constant 0 : index
    %get3A_71 = arith.constant 0 : index
    %get3A_72 = vector.load %arg5[%get3A_70, %get3A_71] : memref<512x512xf32, #tpu.memory_space<vmem>>, vector<512x512xf32>
    %dot_general3A_73 = arith.constant dense<0.000000e+00> : vector<1024x512xf32>
    %dot_general3A_74 = tpu.matmul %div3A_65, %get3A_72, %dot_general3A_73 {dimension_numbers = #tpu.dot_dimension_numbers<[1], [0], [0], [1], [0, 0, 1, 1], [], []>, transpose_lhs_hint = false} : vector<1024x512xf32>, vector<512x512xf32>, vector<1024x512xf32> -> vector<1024x512xf32>
    %get3A_75 = arith.constant 0 : index
    %get3A_76 = arith.constant 0 : index
    %get3A_77 = vector.load %arg6[%get3A_75, %get3A_76] : memref<1x512xf32, #tpu.memory_space<vmem>>, vector<1x512xf32>
    %add3A_78 = vector.broadcast %get3A_77 : vector<1x512xf32> to vector<1024x512xf32>
    %add3A_79 = arith.addf %dot_general3A_74, %add3A_78 : vector<1024x512xf32>
    %mul3A_80 = arith.mulf %add3A_13, %add3A_79 : vector<1024x512xf32>
    %reduce_sum3A_81 = arith.constant dense<0.000000e+00> : vector<1024xf32>
    %reduce_sum3A_82 = vector.multi_reduction <add>, %mul3A_80, %reduce_sum3A_81 [1] : vector<1024x512xf32> to vector<1024xf32>
    %broadcast_in_dim3A_83 = vector.shape_cast %reduce_sum3A_82 : vector<1024xf32> to vector<1024x1xf32>
    %mul3A_84 = arith.constant 0.0441941731 : f32
    %mul3A_85 = vector.broadcast %mul3A_84 : f32 to vector<1024x1xf32>
    %mul3A_86 = arith.mulf %broadcast_in_dim3A_83, %mul3A_85 : vector<1024x1xf32>
    %get3A_87 = arith.constant 2048 : index
    %get3A_88 = arith.constant 0 : index
    %get3A_89 = vector.load %arg1[%get3A_87, %get3A_88] : memref<5120x512xf32, #tpu.memory_space<vmem>>, vector<1024x512xf32>
    %mul3A_90 = arith.mulf %get3A_89, %get3A_89 : vector<1024x512xf32>
    %reduce_sum3A_91 = arith.constant dense<0.000000e+00> : vector<1024xf32>
    %reduce_sum3A_92 = vector.multi_reduction <add>, %mul3A_90, %reduce_sum3A_91 [1] : vector<1024x512xf32> to vector<1024xf32>
    %broadcast_in_dim3A_93 = vector.shape_cast %reduce_sum3A_92 : vector<1024xf32> to vector<1024x1xf32>
    %sqrt3A_94 = math.sqrt %broadcast_in_dim3A_93 : vector<1024x1xf32>
    %max3A_95 = arith.constant 9.99999996E-13 : f32
    %max3A_96 = vector.broadcast %max3A_95 : f32 to vector<1024x1xf32>
    %max3A_97 = arith.maximumf %sqrt3A_94, %max3A_96 : vector<1024x1xf32>
    %div3A_98 = vector.broadcast %max3A_97 : vector<1024x1xf32> to vector<1024x512xf32>
    %div3A_99 = arith.divf %get3A_89, %div3A_98 : vector<1024x512xf32>
    %mul3A_100 = arith.mulf %div3A_5, %div3A_99 : vector<1024x512xf32>
    %reduce_sum3A_101 = arith.constant dense<0.000000e+00> : vector<1024xf32>
    %reduce_sum3A_102 = vector.multi_reduction <add>, %mul3A_100, %reduce_sum3A_101 [1] : vector<1024x512xf32> to vector<1024xf32>
    %broadcast_in_dim3A_103 = vector.shape_cast %reduce_sum3A_102 : vector<1024xf32> to vector<1024x1xf32>
    %get3A_104 = arith.constant 0 : index
    %get3A_105 = arith.constant 0 : index
    %get3A_106 = vector.load %arg5[%get3A_104, %get3A_105] : memref<512x512xf32, #tpu.memory_space<vmem>>, vector<512x512xf32>
    %dot_general3A_107 = arith.constant dense<0.000000e+00> : vector<1024x512xf32>
    %dot_general3A_108 = tpu.matmul %div3A_99, %get3A_106, %dot_general3A_107 {dimension_numbers = #tpu.dot_dimension_numbers<[1], [0], [0], [1], [0, 0, 1, 1], [], []>, transpose_lhs_hint = false} : vector<1024x512xf32>, vector<512x512xf32>, vector<1024x512xf32> -> vector<1024x512xf32>
    %get3A_109 = arith.constant 0 : index
    %get3A_110 = arith.constant 0 : index
    %get3A_111 = vector.load %arg6[%get3A_109, %get3A_110] : memref<1x512xf32, #tpu.memory_space<vmem>>, vector<1x512xf32>
    %add3A_112 = vector.broadcast %get3A_111 : vector<1x512xf32> to vector<1024x512xf32>
    %add3A_113 = arith.addf %dot_general3A_108, %add3A_112 : vector<1024x512xf32>
    %mul3A_114 = arith.mulf %add3A_13, %add3A_113 : vector<1024x512xf32>
    %reduce_sum3A_115 = arith.constant dense<0.000000e+00> : vector<1024xf32>
    %reduce_sum3A_116 = vector.multi_reduction <add>, %mul3A_114, %reduce_sum3A_115 [1] : vector<1024x512xf32> to vector<1024xf32>
    %broadcast_in_dim3A_117 = vector.shape_cast %reduce_sum3A_116 : vector<1024xf32> to vector<1024x1xf32>
    %mul3A_118 = arith.constant 0.0441941731 : f32
    %mul3A_119 = vector.broadcast %mul3A_118 : f32 to vector<1024x1xf32>
    %mul3A_120 = arith.mulf %broadcast_in_dim3A_117, %mul3A_119 : vector<1024x1xf32>
    %get3A_121 = arith.constant 3072 : index
    %get3A_122 = arith.constant 0 : index
    %get3A_123 = vector.load %arg1[%get3A_121, %get3A_122] : memref<5120x512xf32, #tpu.memory_space<vmem>>, vector<1024x512xf32>
    %mul3A_124 = arith.mulf %get3A_123, %get3A_123 : vector<1024x512xf32>
    %reduce_sum3A_125 = arith.constant dense<0.000000e+00> : vector<1024xf32>
    %reduce_sum3A_126 = vector.multi_reduction <add>, %mul3A_124, %reduce_sum3A_125 [1] : vector<1024x512xf32> to vector<1024xf32>
    %broadcast_in_dim3A_127 = vector.shape_cast %reduce_sum3A_126 : vector<1024xf32> to vector<1024x1xf32>
    %sqrt3A_128 = math.sqrt %broadcast_in_dim3A_127 : vector<1024x1xf32>
    %max3A_129 = arith.constant 9.99999996E-13 : f32
    %max3A_130 = vector.broadcast %max3A_129 : f32 to vector<1024x1xf32>
    %max3A_131 = arith.maximumf %sqrt3A_128, %max3A_130 : vector<1024x1xf32>
    %div3A_132 = vector.broadcast %max3A_131 : vector<1024x1xf32> to vector<1024x512xf32>
    %div3A_133 = arith.divf %get3A_123, %div3A_132 : vector<1024x512xf32>
    %mul3A_134 = arith.mulf %div3A_5, %div3A_133 : vector<1024x512xf32>
    %reduce_sum3A_135 = arith.constant dense<0.000000e+00> : vector<1024xf32>
    %reduce_sum3A_136 = vector.multi_reduction <add>, %mul3A_134, %reduce_sum3A_135 [1] : vector<1024x512xf32> to vector<1024xf32>
    %broadcast_in_dim3A_137 = vector.shape_cast %reduce_sum3A_136 : vector<1024xf32> to vector<1024x1xf32>
    %get3A_138 = arith.constant 0 : index
    %get3A_139 = arith.constant 0 : index
    %get3A_140 = vector.load %arg5[%get3A_138, %get3A_139] : memref<512x512xf32, #tpu.memory_space<vmem>>, vector<512x512xf32>
    %dot_general3A_141 = arith.constant dense<0.000000e+00> : vector<1024x512xf32>
    %dot_general3A_142 = tpu.matmul %div3A_133, %get3A_140, %dot_general3A_141 {dimension_numbers = #tpu.dot_dimension_numbers<[1], [0], [0], [1], [0, 0, 1, 1], [], []>, transpose_lhs_hint = false} : vector<1024x512xf32>, vector<512x512xf32>, vector<1024x512xf32> -> vector<1024x512xf32>
    %get3A_143 = arith.constant 0 : index
    %get3A_144 = arith.constant 0 : index
    %get3A_145 = vector.load %arg6[%get3A_143, %get3A_144] : memref<1x512xf32, #tpu.memory_space<vmem>>, vector<1x512xf32>
    %add3A_146 = vector.broadcast %get3A_145 : vector<1x512xf32> to vector<1024x512xf32>
    %add3A_147 = arith.addf %dot_general3A_142, %add3A_146 : vector<1024x512xf32>
    %mul3A_148 = arith.mulf %add3A_13, %add3A_147 : vector<1024x512xf32>
    %reduce_sum3A_149 = arith.constant dense<0.000000e+00> : vector<1024xf32>
    %reduce_sum3A_150 = vector.multi_reduction <add>, %mul3A_148, %reduce_sum3A_149 [1] : vector<1024x512xf32> to vector<1024xf32>
    %broadcast_in_dim3A_151 = vector.shape_cast %reduce_sum3A_150 : vector<1024xf32> to vector<1024x1xf32>
    %mul3A_152 = arith.constant 0.0441941731 : f32
    %mul3A_153 = vector.broadcast %mul3A_152 : f32 to vector<1024x1xf32>
    %mul3A_154 = arith.mulf %broadcast_in_dim3A_151, %mul3A_153 : vector<1024x1xf32>
    %get3A_155 = arith.constant 4096 : index
    %get3A_156 = arith.constant 0 : index
    %get3A_157 = vector.load %arg1[%get3A_155, %get3A_156] : memref<5120x512xf32, #tpu.memory_space<vmem>>, vector<1024x512xf32>
    %mul3A_158 = arith.mulf %get3A_157, %get3A_157 : vector<1024x512xf32>
    %reduce_sum3A_159 = arith.constant dense<0.000000e+00> : vector<1024xf32>
    %reduce_sum3A_160 = vector.multi_reduction <add>, %mul3A_158, %reduce_sum3A_159 [1] : vector<1024x512xf32> to vector<1024xf32>
    %broadcast_in_dim3A_161 = vector.shape_cast %reduce_sum3A_160 : vector<1024xf32> to vector<1024x1xf32>
    %sqrt3A_162 = math.sqrt %broadcast_in_dim3A_161 : vector<1024x1xf32>
    %max3A_163 = arith.constant 9.99999996E-13 : f32
    %max3A_164 = vector.broadcast %max3A_163 : f32 to vector<1024x1xf32>
    %max3A_165 = arith.maximumf %sqrt3A_162, %max3A_164 : vector<1024x1xf32>
    %div3A_166 = vector.broadcast %max3A_165 : vector<1024x1xf32> to vector<1024x512xf32>
    %div3A_167 = arith.divf %get3A_157, %div3A_166 : vector<1024x512xf32>
    %mul3A_168 = arith.mulf %div3A_5, %div3A_167 : vector<1024x512xf32>
    %reduce_sum3A_169 = arith.constant dense<0.000000e+00> : vector<1024xf32>
    %reduce_sum3A_170 = vector.multi_reduction <add>, %mul3A_168, %reduce_sum3A_169 [1] : vector<1024x512xf32> to vector<1024xf32>
    %broadcast_in_dim3A_171 = vector.shape_cast %reduce_sum3A_170 : vector<1024xf32> to vector<1024x1xf32>
    %get3A_172 = arith.constant 0 : index
    %get3A_173 = arith.constant 0 : index
    %get3A_174 = vector.load %arg5[%get3A_172, %get3A_173] : memref<512x512xf32, #tpu.memory_space<vmem>>, vector<512x512xf32>
    %dot_general3A_175 = arith.constant dense<0.000000e+00> : vector<1024x512xf32>
    %dot_general3A_176 = tpu.matmul %div3A_167, %get3A_174, %dot_general3A_175 {dimension_numbers = #tpu.dot_dimension_numbers<[1], [0], [0], [1], [0, 0, 1, 1], [], []>, transpose_lhs_hint = false} : vector<1024x512xf32>, vector<512x512xf32>, vector<1024x512xf32> -> vector<1024x512xf32>
    %get3A_177 = arith.constant 0 : index
    %get3A_178 = arith.constant 0 : index
    %get3A_179 = vector.load %arg6[%get3A_177, %get3A_178] : memref<1x512xf32, #tpu.memory_space<vmem>>, vector<1x512xf32>
    %add3A_180 = vector.broadcast %get3A_179 : vector<1x512xf32> to vector<1024x512xf32>
    %add3A_181 = arith.addf %dot_general3A_176, %add3A_180 : vector<1024x512xf32>
    %mul3A_182 = arith.mulf %add3A_13, %add3A_181 : vector<1024x512xf32>
    %reduce_sum3A_183 = arith.constant dense<0.000000e+00> : vector<1024xf32>
    %reduce_sum3A_184 = vector.multi_reduction <add>, %mul3A_182, %reduce_sum3A_183 [1] : vector<1024x512xf32> to vector<1024xf32>
    %broadcast_in_dim3A_185 = vector.shape_cast %reduce_sum3A_184 : vector<1024xf32> to vector<1024x1xf32>
    %mul3A_186 = arith.constant 0.0441941731 : f32
    %mul3A_187 = vector.broadcast %mul3A_186 : f32 to vector<1024x1xf32>
    %mul3A_188 = arith.mulf %broadcast_in_dim3A_185, %mul3A_187 : vector<1024x1xf32>
    %concatenate3A = tpu.concatenate %mul3A_52, %mul3A_86, %mul3A_120, %mul3A_154, %mul3A_188 in 1 : vector<1024x1xf32>, vector<1024x1xf32>, vector<1024x1xf32>, vector<1024x1xf32>, vector<1024x1xf32> -> vector<1024x5xf32>
    %jit3A = arith.constant 0xFF800000 : f32
    %broadcast_in_dim3A_189 = vector.broadcast %jit3A : f32 to vector<1024x5xf32>
    %select_n3A = arith.select %gt3A_18, %concatenate3A, %broadcast_in_dim3A_189 : vector<1024x5xi1>, vector<1024x5xf32>
    %reduce_max3A = arith.constant dense<0xFF800000> : vector<1024xf32>
    %reduce_max3A_190 = vector.multi_reduction <maximumf>, %select_n3A, %reduce_max3A [1] : vector<1024x5xf32> to vector<1024xf32>
    %broadcast_in_dim3A_191 = vector.shape_cast %reduce_max3A_190 : vector<1024xf32> to vector<1024x1xf32>
    %sub3A = vector.broadcast %broadcast_in_dim3A_191 : vector<1024x1xf32> to vector<1024x5xf32>
    %sub3A_192 = arith.subf %select_n3A, %sub3A : vector<1024x5xf32>
    %exp3A = math.exp %sub3A_192 : vector<1024x5xf32>
    %jit3A_193 = arith.constant 0.000000e+00 : f32
    %broadcast_in_dim3A_194 = vector.broadcast %jit3A_193 : f32 to vector<1024x5xf32>
    %select_n3A_195 = arith.select %gt3A_18, %exp3A, %broadcast_in_dim3A_194 : vector<1024x5xi1>, vector<1024x5xf32>
    %reduce_sum3A_196 = arith.constant dense<0.000000e+00> : vector<1024xf32>
    %reduce_sum3A_197 = vector.multi_reduction <add>, %select_n3A_195, %reduce_sum3A_196 [1] : vector<1024x5xf32> to vector<1024xf32>
    %broadcast_in_dim3A_198 = vector.shape_cast %reduce_sum3A_197 : vector<1024xf32> to vector<1024x1xf32>
    %max3A_199 = arith.constant 1.000000e-30 : f32
    %max3A_200 = vector.broadcast %max3A_199 : f32 to vector<1024x1xf32>
    %max3A_201 = arith.maximumf %broadcast_in_dim3A_198, %max3A_200 : vector<1024x1xf32>
    %div3A_202 = vector.broadcast %max3A_201 : vector<1024x1xf32> to vector<1024x5xf32>
    %div3A_203 = arith.divf %select_n3A_195, %div3A_202 : vector<1024x5xf32>
    %jit3A_204 = arith.constant 0.000000e+00 : f32
    %broadcast_in_dim3A_205 = vector.broadcast %jit3A_204 : f32 to vector<1024x5xf32>
    %select_n3A_206 = arith.select %gt3A_18, %div3A_203, %broadcast_in_dim3A_205 : vector<1024x5xi1>, vector<1024x5xf32>
    %broadcast_in_dim3A_207 = arith.constant 0.000000e+00 : f32
    %broadcast_in_dim3A_208 = vector.broadcast %broadcast_in_dim3A_207 : f32 to vector<1024x512xf32>
    %get3A_209 = arith.constant 0 : index
    %get3A_210 = arith.constant 0 : index
    %get3A_211 = vector.load %arg1[%get3A_209, %get3A_210] : memref<5120x512xf32, #tpu.memory_space<vmem>>, vector<1024x512xf32>
    %div3A_212 = vector.broadcast %max3A_29 : vector<1024x1xf32> to vector<1024x512xf32>
    %div3A_213 = arith.divf %get3A_211, %div3A_212 : vector<1024x512xf32>
    %get3A_214 = arith.constant 0 : index
    %get3A_215 = arith.constant 0 : index
    %get3A_216 = vector.load %arg7[%get3A_214, %get3A_215] : memref<512x512xf32, #tpu.memory_space<vmem>>, vector<512x512xf32>
    %dot_general3A_217 = arith.constant dense<0.000000e+00> : vector<1024x512xf32>
    %dot_general3A_218 = tpu.matmul %div3A_213, %get3A_216, %dot_general3A_217 {dimension_numbers = #tpu.dot_dimension_numbers<[1], [0], [0], [1], [0, 0, 1, 1], [], []>, transpose_lhs_hint = false} : vector<1024x512xf32>, vector<512x512xf32>, vector<1024x512xf32> -> vector<1024x512xf32>
    %get3A_219 = arith.constant 0 : index
    %get3A_220 = arith.constant 0 : index
    %get3A_221 = vector.load %arg8[%get3A_219, %get3A_220] : memref<1x512xf32, #tpu.memory_space<vmem>>, vector<1x512xf32>
    %add3A_222 = vector.broadcast %get3A_221 : vector<1x512xf32> to vector<1024x512xf32>
    %add3A_223 = arith.addf %dot_general3A_218, %add3A_222 : vector<1024x512xf32>
    %slice3A = vector.extract_strided_slice %select_n3A_206 {offsets = [0, 0], sizes = [1024, 1], strides = [1, 1]} : vector<1024x5xf32> to vector<1024x1xf32>
    %mul3A_224 = vector.broadcast %slice3A : vector<1024x1xf32> to vector<1024x512xf32>
    %mul3A_225 = arith.mulf %mul3A_224, %add3A_223 : vector<1024x512xf32>
    %add3A_226 = arith.addf %broadcast_in_dim3A_208, %mul3A_225 : vector<1024x512xf32>
    %get3A_227 = arith.constant 1024 : index
    %get3A_228 = arith.constant 0 : index
    %get3A_229 = vector.load %arg1[%get3A_227, %get3A_228] : memref<5120x512xf32, #tpu.memory_space<vmem>>, vector<1024x512xf32>
    %div3A_230 = vector.broadcast %max3A_63 : vector<1024x1xf32> to vector<1024x512xf32>
    %div3A_231 = arith.divf %get3A_229, %div3A_230 : vector<1024x512xf32>
    %get3A_232 = arith.constant 0 : index
    %get3A_233 = arith.constant 0 : index
    %get3A_234 = vector.load %arg7[%get3A_232, %get3A_233] : memref<512x512xf32, #tpu.memory_space<vmem>>, vector<512x512xf32>
    %dot_general3A_235 = arith.constant dense<0.000000e+00> : vector<1024x512xf32>
    %dot_general3A_236 = tpu.matmul %div3A_231, %get3A_234, %dot_general3A_235 {dimension_numbers = #tpu.dot_dimension_numbers<[1], [0], [0], [1], [0, 0, 1, 1], [], []>, transpose_lhs_hint = false} : vector<1024x512xf32>, vector<512x512xf32>, vector<1024x512xf32> -> vector<1024x512xf32>
    %get3A_237 = arith.constant 0 : index
    %get3A_238 = arith.constant 0 : index
    %get3A_239 = vector.load %arg8[%get3A_237, %get3A_238] : memref<1x512xf32, #tpu.memory_space<vmem>>, vector<1x512xf32>
    %add3A_240 = vector.broadcast %get3A_239 : vector<1x512xf32> to vector<1024x512xf32>
    %add3A_241 = arith.addf %dot_general3A_236, %add3A_240 : vector<1024x512xf32>
    %slice3A_242 = vector.extract_strided_slice %select_n3A_206 {offsets = [0, 1], sizes = [1024, 1], strides = [1, 1]} : vector<1024x5xf32> to vector<1024x1xf32>
    %mul3A_243 = vector.broadcast %slice3A_242 : vector<1024x1xf32> to vector<1024x512xf32>
    %mul3A_244 = arith.mulf %mul3A_243, %add3A_241 : vector<1024x512xf32>
    %add3A_245 = arith.addf %add3A_226, %mul3A_244 : vector<1024x512xf32>
    %get3A_246 = arith.constant 2048 : index
    %get3A_247 = arith.constant 0 : index
    %get3A_248 = vector.load %arg1[%get3A_246, %get3A_247] : memref<5120x512xf32, #tpu.memory_space<vmem>>, vector<1024x512xf32>
    %div3A_249 = vector.broadcast %max3A_97 : vector<1024x1xf32> to vector<1024x512xf32>
    %div3A_250 = arith.divf %get3A_248, %div3A_249 : vector<1024x512xf32>
    %get3A_251 = arith.constant 0 : index
    %get3A_252 = arith.constant 0 : index
    %get3A_253 = vector.load %arg7[%get3A_251, %get3A_252] : memref<512x512xf32, #tpu.memory_space<vmem>>, vector<512x512xf32>
    %dot_general3A_254 = arith.constant dense<0.000000e+00> : vector<1024x512xf32>
    %dot_general3A_255 = tpu.matmul %div3A_250, %get3A_253, %dot_general3A_254 {dimension_numbers = #tpu.dot_dimension_numbers<[1], [0], [0], [1], [0, 0, 1, 1], [], []>, transpose_lhs_hint = false} : vector<1024x512xf32>, vector<512x512xf32>, vector<1024x512xf32> -> vector<1024x512xf32>
    %get3A_256 = arith.constant 0 : index
    %get3A_257 = arith.constant 0 : index
    %get3A_258 = vector.load %arg8[%get3A_256, %get3A_257] : memref<1x512xf32, #tpu.memory_space<vmem>>, vector<1x512xf32>
    %add3A_259 = vector.broadcast %get3A_258 : vector<1x512xf32> to vector<1024x512xf32>
    %add3A_260 = arith.addf %dot_general3A_255, %add3A_259 : vector<1024x512xf32>
    %slice3A_261 = vector.extract_strided_slice %select_n3A_206 {offsets = [0, 2], sizes = [1024, 1], strides = [1, 1]} : vector<1024x5xf32> to vector<1024x1xf32>
    %mul3A_262 = vector.broadcast %slice3A_261 : vector<1024x1xf32> to vector<1024x512xf32>
    %mul3A_263 = arith.mulf %mul3A_262, %add3A_260 : vector<1024x512xf32>
    %add3A_264 = arith.addf %add3A_245, %mul3A_263 : vector<1024x512xf32>
    %get3A_265 = arith.constant 3072 : index
    %get3A_266 = arith.constant 0 : index
    %get3A_267 = vector.load %arg1[%get3A_265, %get3A_266] : memref<5120x512xf32, #tpu.memory_space<vmem>>, vector<1024x512xf32>
    %div3A_268 = vector.broadcast %max3A_131 : vector<1024x1xf32> to vector<1024x512xf32>
    %div3A_269 = arith.divf %get3A_267, %div3A_268 : vector<1024x512xf32>
    %get3A_270 = arith.constant 0 : index
    %get3A_271 = arith.constant 0 : index
    %get3A_272 = vector.load %arg7[%get3A_270, %get3A_271] : memref<512x512xf32, #tpu.memory_space<vmem>>, vector<512x512xf32>
    %dot_general3A_273 = arith.constant dense<0.000000e+00> : vector<1024x512xf32>
    %dot_general3A_274 = tpu.matmul %div3A_269, %get3A_272, %dot_general3A_273 {dimension_numbers = #tpu.dot_dimension_numbers<[1], [0], [0], [1], [0, 0, 1, 1], [], []>, transpose_lhs_hint = false} : vector<1024x512xf32>, vector<512x512xf32>, vector<1024x512xf32> -> vector<1024x512xf32>
    %get3A_275 = arith.constant 0 : index
    %get3A_276 = arith.constant 0 : index
    %get3A_277 = vector.load %arg8[%get3A_275, %get3A_276] : memref<1x512xf32, #tpu.memory_space<vmem>>, vector<1x512xf32>
    %add3A_278 = vector.broadcast %get3A_277 : vector<1x512xf32> to vector<1024x512xf32>
    %add3A_279 = arith.addf %dot_general3A_274, %add3A_278 : vector<1024x512xf32>
    %slice3A_280 = vector.extract_strided_slice %select_n3A_206 {offsets = [0, 3], sizes = [1024, 1], strides = [1, 1]} : vector<1024x5xf32> to vector<1024x1xf32>
    %mul3A_281 = vector.broadcast %slice3A_280 : vector<1024x1xf32> to vector<1024x512xf32>
    %mul3A_282 = arith.mulf %mul3A_281, %add3A_279 : vector<1024x512xf32>
    %add3A_283 = arith.addf %add3A_264, %mul3A_282 : vector<1024x512xf32>
    %get3A_284 = arith.constant 4096 : index
    %get3A_285 = arith.constant 0 : index
    %get3A_286 = vector.load %arg1[%get3A_284, %get3A_285] : memref<5120x512xf32, #tpu.memory_space<vmem>>, vector<1024x512xf32>
    %div3A_287 = vector.broadcast %max3A_165 : vector<1024x1xf32> to vector<1024x512xf32>
    %div3A_288 = arith.divf %get3A_286, %div3A_287 : vector<1024x512xf32>
    %get3A_289 = arith.constant 0 : index
    %get3A_290 = arith.constant 0 : index
    %get3A_291 = vector.load %arg7[%get3A_289, %get3A_290] : memref<512x512xf32, #tpu.memory_space<vmem>>, vector<512x512xf32>
    %dot_general3A_292 = arith.constant dense<0.000000e+00> : vector<1024x512xf32>
    %dot_general3A_293 = tpu.matmul %div3A_288, %get3A_291, %dot_general3A_292 {dimension_numbers = #tpu.dot_dimension_numbers<[1], [0], [0], [1], [0, 0, 1, 1], [], []>, transpose_lhs_hint = false} : vector<1024x512xf32>, vector<512x512xf32>, vector<1024x512xf32> -> vector<1024x512xf32>
    %get3A_294 = arith.constant 0 : index
    %get3A_295 = arith.constant 0 : index
    %get3A_296 = vector.load %arg8[%get3A_294, %get3A_295] : memref<1x512xf32, #tpu.memory_space<vmem>>, vector<1x512xf32>
    %add3A_297 = vector.broadcast %get3A_296 : vector<1x512xf32> to vector<1024x512xf32>
    %add3A_298 = arith.addf %dot_general3A_293, %add3A_297 : vector<1024x512xf32>
    %slice3A_299 = vector.extract_strided_slice %select_n3A_206 {offsets = [0, 4], sizes = [1024, 1], strides = [1, 1]} : vector<1024x5xf32> to vector<1024x1xf32>
    %mul3A_300 = vector.broadcast %slice3A_299 : vector<1024x1xf32> to vector<1024x512xf32>
    %mul3A_301 = arith.mulf %mul3A_300, %add3A_298 : vector<1024x512xf32>
    %add3A_302 = arith.addf %add3A_283, %mul3A_301 : vector<1024x512xf32>
    %get3A_303 = arith.constant 0 : index
    %get3A_304 = arith.constant 0 : index
    %get3A_305 = vector.load %arg9[%get3A_303, %get3A_304] : memref<512x512xf32, #tpu.memory_space<vmem>>, vector<512x512xf32>
    %dot_general3A_306 = arith.constant dense<0.000000e+00> : vector<1024x512xf32>
    %dot_general3A_307 = tpu.matmul %add3A_302, %get3A_305, %dot_general3A_306 {dimension_numbers = #tpu.dot_dimension_numbers<[1], [0], [0], [1], [0, 0, 1, 1], [], []>, transpose_lhs_hint = false} : vector<1024x512xf32>, vector<512x512xf32>, vector<1024x512xf32> -> vector<1024x512xf32>
    %get3A_308 = arith.constant 0 : index
    %get3A_309 = arith.constant 0 : index
    %get3A_310 = vector.load %arg10[%get3A_308, %get3A_309] : memref<1x512xf32, #tpu.memory_space<vmem>>, vector<1x512xf32>
    %add3A_311 = vector.broadcast %get3A_310 : vector<1x512xf32> to vector<1024x512xf32>
    %add3A_312 = arith.addf %dot_general3A_307, %add3A_311 : vector<1024x512xf32>
    %concatenate3A_313 = tpu.concatenate %broadcast_in_dim3A_35, %broadcast_in_dim3A_69, %broadcast_in_dim3A_103, %broadcast_in_dim3A_137, %broadcast_in_dim3A_171 in 1 : vector<1024x1xf32>, vector<1024x1xf32>, vector<1024x1xf32>, vector<1024x1xf32>, vector<1024x1xf32> -> vector<1024x5xf32>
    %jit3A_314 = arith.constant 0xFF800000 : f32
    %broadcast_in_dim3A_315 = vector.broadcast %jit3A_314 : f32 to vector<1024x5xf32>
    %select_n3A_316 = arith.select %gt3A_18, %concatenate3A_313, %broadcast_in_dim3A_315 : vector<1024x5xi1>, vector<1024x5xf32>
    %reduce_max3A_317 = arith.constant dense<0xFF800000> : vector<1024xf32>
    %reduce_max3A_318 = vector.multi_reduction <maximumf>, %select_n3A_316, %reduce_max3A_317 [1] : vector<1024x5xf32> to vector<1024xf32>
    %broadcast_in_dim3A_319 = vector.shape_cast %reduce_max3A_318 : vector<1024xf32> to vector<1024x1xf32>
    %get3A_320 = arith.constant 0 : index
    %get3A_321 = arith.constant 0 : index
    %get3A_322 = vector.load %arg11[%get3A_320, %get3A_321] : memref<1x512xf32, #tpu.memory_space<vmem>>, vector<1x512xf32>
    %mul3A_323 = vector.broadcast %get3A_322 : vector<1x512xf32> to vector<1024x512xf32>
    %mul3A_324 = arith.mulf %get3A_1, %mul3A_323 : vector<1024x512xf32>
    %reduce_sum3A_325 = arith.constant dense<0.000000e+00> : vector<1024xf32>
    %reduce_sum3A_326 = vector.multi_reduction <add>, %mul3A_324, %reduce_sum3A_325 [1] : vector<1024x512xf32> to vector<1024xf32>
    %broadcast_in_dim3A_327 = vector.shape_cast %reduce_sum3A_326 : vector<1024xf32> to vector<1024x1xf32>
    %get3A_328 = arith.constant 0 : index
    %get3A_329 = arith.constant 0 : index
    %get3A_330 = vector.load %arg12[%get3A_328, %get3A_329] : memref<1x512xf32, #tpu.memory_space<vmem>>, vector<1x512xf32>
    %mul3A_331 = vector.broadcast %get3A_330 : vector<1x512xf32> to vector<1024x512xf32>
    %mul3A_332 = arith.mulf %add3A_312, %mul3A_331 : vector<1024x512xf32>
    %reduce_sum3A_333 = arith.constant dense<0.000000e+00> : vector<1024xf32>
    %reduce_sum3A_334 = vector.multi_reduction <add>, %mul3A_332, %reduce_sum3A_333 [1] : vector<1024x512xf32> to vector<1024xf32>
    %broadcast_in_dim3A_335 = vector.shape_cast %reduce_sum3A_334 : vector<1024xf32> to vector<1024x1xf32>
    %add3A_336 = arith.addf %broadcast_in_dim3A_327, %broadcast_in_dim3A_335 : vector<1024x1xf32>
    %get3A_337 = arith.constant 0 : index
    %get3A_338 = arith.constant 0 : index
    %get3A_339 = vector.load %arg13[%get3A_337, %get3A_338] : memref<1x1xf32, #tpu.memory_space<vmem>>, vector<1x1xf32>
    %add3A_340 = vector.broadcast %get3A_339 : vector<1x1xf32> to vector<1024x1xf32>
    %add3A_341 = arith.addf %add3A_336, %add3A_340 : vector<1024x1xf32>
    %logistic3A = arith.negf %add3A_341 : vector<1024x1xf32>
    %logistic3A_342 = math.exp %logistic3A : vector<1024x1xf32>
    %logistic3A_343 = arith.constant 1.000000e+00 : f32
    %logistic3A_344 = vector.broadcast %logistic3A_343 : f32 to vector<1024x1xf32>
    %logistic3A_345 = arith.addf %logistic3A_344, %logistic3A_342 : vector<1024x1xf32>
    %logistic3A_346 = arith.divf %logistic3A_344, %logistic3A_345 : vector<1024x1xf32>
    %logistic3A_347 = arith.negf %broadcast_in_dim3A_319 : vector<1024x1xf32>
    %logistic3A_348 = math.exp %logistic3A_347 : vector<1024x1xf32>
    %logistic3A_349 = arith.constant 1.000000e+00 : f32
    %logistic3A_350 = vector.broadcast %logistic3A_349 : f32 to vector<1024x1xf32>
    %logistic3A_351 = arith.addf %logistic3A_350, %logistic3A_348 : vector<1024x1xf32>
    %logistic3A_352 = arith.divf %logistic3A_350, %logistic3A_351 : vector<1024x1xf32>
    %mul3A_353 = arith.mulf %logistic3A_346, %logistic3A_352 : vector<1024x1xf32>
    %mul3A_354 = vector.broadcast %mul3A_353 : vector<1024x1xf32> to vector<1024x512xf32>
    %mul3A_355 = arith.mulf %mul3A_354, %add3A_312 : vector<1024x512xf32>
    %add3A_356 = arith.addf %get3A_1, %mul3A_355 : vector<1024x512xf32>
    %reduce_sum3A_357 = arith.constant dense<0.000000e+00> : vector<1024xf32>
    %reduce_sum3A_358 = vector.multi_reduction <add>, %add3A_356, %reduce_sum3A_357 [1] : vector<1024x512xf32> to vector<1024xf32>
    %broadcast_in_dim3A_359 = vector.shape_cast %reduce_sum3A_358 : vector<1024xf32> to vector<1024x1xf32>
    %div3A_360 = arith.constant 5.120000e+02 : f32
    %div3A_361 = vector.broadcast %div3A_360 : f32 to vector<1024x1xf32>
    %div3A_362 = arith.divf %broadcast_in_dim3A_359, %div3A_361 : vector<1024x1xf32>
    %sub3A_363 = vector.broadcast %div3A_362 : vector<1024x1xf32> to vector<1024x512xf32>
    %sub3A_364 = arith.subf %add3A_356, %sub3A_363 : vector<1024x512xf32>
    %mul3A_365 = arith.mulf %sub3A_364, %sub3A_364 : vector<1024x512xf32>
    %reduce_sum3A_366 = arith.constant dense<0.000000e+00> : vector<1024xf32>
    %reduce_sum3A_367 = vector.multi_reduction <add>, %mul3A_365, %reduce_sum3A_366 [1] : vector<1024x512xf32> to vector<1024xf32>
    %broadcast_in_dim3A_368 = vector.shape_cast %reduce_sum3A_367 : vector<1024xf32> to vector<1024x1xf32>
    %div3A_369 = arith.constant 5.120000e+02 : f32
    %div3A_370 = vector.broadcast %div3A_369 : f32 to vector<1024x1xf32>
    %div3A_371 = arith.divf %broadcast_in_dim3A_368, %div3A_370 : vector<1024x1xf32>
    %add3A_372 = arith.constant 9.99999974E-6 : f32
    %add3A_373 = vector.broadcast %add3A_372 : f32 to vector<1024x1xf32>
    %add3A_374 = arith.addf %div3A_371, %add3A_373 : vector<1024x1xf32>
    %sqrt3A_375 = math.sqrt %add3A_374 : vector<1024x1xf32>
    %div3A_376 = vector.broadcast %sqrt3A_375 : vector<1024x1xf32> to vector<1024x512xf32>
    %div3A_377 = arith.divf %sub3A_364, %div3A_376 : vector<1024x512xf32>
    %get3A_378 = arith.constant 0 : index
    %get3A_379 = arith.constant 0 : index
    %get3A_380 = vector.load %arg14[%get3A_378, %get3A_379] : memref<1x512xf32, #tpu.memory_space<vmem>>, vector<1x512xf32>
    %mul3A_381 = vector.broadcast %get3A_380 : vector<1x512xf32> to vector<1024x512xf32>
    %mul3A_382 = arith.mulf %div3A_377, %mul3A_381 : vector<1024x512xf32>
    %get3A_383 = arith.constant 0 : index
    %get3A_384 = arith.constant 0 : index
    %get3A_385 = vector.load %arg15[%get3A_383, %get3A_384] : memref<1x512xf32, #tpu.memory_space<vmem>>, vector<1x512xf32>
    %add3A_386 = vector.broadcast %get3A_385 : vector<1x512xf32> to vector<1024x512xf32>
    %add3A_387 = arith.addf %mul3A_382, %add3A_386 : vector<1024x512xf32>
    %swap3A = arith.constant 0 : index
    %swap3A_388 = arith.constant 0 : index
    %swap3A_389 = vector.load %arg16[%swap3A, %swap3A_388] : memref<1024x512xf32, #tpu.memory_space<vmem>>, vector<1024x512xf32>
    tpu.vector_store %arg16[%swap3A, %swap3A_388], %add3A_387 {strides = array<i32>} : memref<1024x512xf32, #tpu.memory_space<vmem>>, vector<1024x512xf32>,
    return
  }
}

</mosaic_0001>

<sc_bundles>
// kernel: kernel.5.cloned.1.call-start
scs
__scs_entry_jumppad:
0x0: {  	(pc) =	sbr.rel $0x88, $3  }
0x1: {  	(tag) =	ssettag $0x0;
	lr =	simm.s32 $0x1  }
0x2: {  	[smem:$0x3F93] =	sst lr;
	_ =	strace $0xD0000000  }
0x3: {  	_ = 	snop  }
0x4: {  	_ = 	snop  }
0x5: {  	_ = 	snop  }
0x6: {  	_ = 	snop  }
0x7: {  	_ = 	snop  }
__scs_overlays_trampoline_lowered:
0x8: {  	[smem:$0x3FA2] =	sst s0  }
0x9: {  	[smem:$0x3FA3] =	sst s1  }
0xa: {  	[smem:$0x3FA4] =	sst s2  }
0xb: {  	[smem:$0x3FA5] =	sst s3  }
0xc: {  	[smem:$0x3FA6] =	sst s4  }
0xd: {  	[smem:$0x3FA7] =	sst s5  }
0xe: {  	[smem:$0x3FA8] =	sst s6  }
0xf: {  	[smem:$0x3FA9] =	sst s7  }
0x10: {  	[smem:$0x3FAA] =	sst s8  }
0x11: {  	[smem:$0x3FAB] =	sst s9;
	s0 =	simm.s32 @!p0 $0x0  }
0x12: {  	s1 =	sld [smem:$0x3F91];
	s0 =	simm.s32 @p0 $0x1  }
0x13: {  	[smem:$0x3FAC] =	sst s0;
	s0 =	simm.s32 @!p1 $0x0  }
0x14: {  	s2 =	sld [smem:$0x3F90];
	s0 =	simm.s32 @p1 $0x1  }
0x15: {  	[smem:$0x3FAD] =	sst s0;
	s0 =	simm.s32 @!p2 $0x0  }
0x16: {  	s3 =	sld [smem:$0x3FDB];
	s0 =	simm.s32 @p2 $0x1  }
0x17: {  	s4 =	simm.s32 $0x1BF5;
	[smem:$0x3FAF] =	sst s0  }
0x18: {  	s0 =	sld [smem:$0x3F92];
	_ =	swait.ge [sflag:s4], $0x0  }
0x19: {  	s7 =	sld [smem:$0x3F93]  }
0x1a: {  	s8 =	sadd.s32 $0xFFFFE003, lr  }
0x1b: {  	s9 =	sadd.s32 $0xFFFFFEF7, lr;
	s5 =	simm.s32 $0xFFFFFFFF;
	p2 =	slt.u32 s8, $0xFFFFF086  }
0x1c: {  	p1 =	slt.u32 s9, $0xF7A;
	s5 =	simm.s32 @!p2 $0x0  }
0x1d: {  	s5 =	simm.s32 @p1 $0x1;
	p0 =	seq.s32 s7, s2  }
0x1e: {  	s7 =	smul.u32 @!p0 $0xF7A, s2;
	p2 =	seq.s32 @!p0 s5, $0x0  }
0x1f: {  	s9 =	smul.u32 $0xF7A, s1;
	s8 =	simm.s32 @!p0 $0x1BF5;
	p2 =	por !p2, p0  }
0x20: {  	[sflag:s8] =	ssyncset.s32 @!p0 $0xFFFFF086;
	s6 =	sadd.s32 @!p0 s3, s7;
	s7 =	simm.s32 @!p0 $0x108  }
0x21: {  	s3 =	sadd.s32 s3, s9;
	s6 =	sadd.s32 @!p0 $0x88, s6;
	s7 =	simm.s32 @p2 $0x1082  }
0x22: {  	[simem:s7], [sflag:s8] =	dma.local @!p0 [hbm:s6], $0xF7A  }
0x23: {  	s9 =	sor.u32 $0xD0000000, s2;
	s6 =	simm.s32 $0x108;
	_ =	swait.ge @!p0 [sflag:s8], $0x0  }
0x24: {  	s3 =	sadd.s32 $0x88, s3;
	s6 =	simm.s32 @!p1 $0x1082;
	[sflag:s4] =	ssyncset.s32 $0xFFFFF086  }
0x25: {  	[simem:s6], [sflag:s4] =	dma.local [hbm:s3], $0xF7A  }
0x26: {  	[smem:$0x3F93] =	sst s1;
	(tag) =	ssettag s2;
	_ =	strace s9  }
0x27: {  	s1 =	sld [smem:$0x3FA3]  }
0x28: {  	s2 =	sld [smem:$0x3FA4]  }
0x29: {  	s4 =	sld [smem:$0x3FA6]  }
0x2a: {  	p0 =	seq.s32 s5, $0x0;
	s5 =	sld [smem:$0x3FA7]  }
0x2b: {  	s6 =	sld [smem:$0x3FA8]  }
0x2c: {  	s7 =	sld [smem:$0x3FA9]  }
0x2d: {  	s3 =	simm.s32 $0x108;
	s8 =	sld [smem:$0x3FAA]  }
0x2e: {  	s3 =	simm.s32 @!p0 $0x1082;
	s9 =	sld [smem:$0x3FAB]  }
0x2f: {  	lr =	sadd.s32 s0, s3;
	s0 =	sld [smem:$0x3FA2]  }
0x30: {  	s3 =	sld [smem:$0x3FA5]  }
0x31: {  	[smem:$0x3FAE] =	sst s10  }
0x32: {  	s10 =	sld [smem:$0x3FAC];
	_ =	sdelay $0x3  }
0x33: {  	p0 =	seq.s32 s10, $0x1;
	s10 =	sld [smem:$0x3FAE];
	_ =	sdelay $0x3  }
0x34: {  	[smem:$0x3FAE] =	sst s10  }
0x35: {  	s10 =	sld [smem:$0x3FAD];
	_ =	sdelay $0x3  }
0x36: {  	p1 =	seq.s32 s10, $0x1;
	s10 =	sld [smem:$0x3FAE];
	_ =	sdelay $0x3  }
0x37: {  	[smem:$0x3FAE] =	sst s10  }
0x38: {  	s10 =	sld [smem:$0x3FAF]  }
0x39: {  	_ = 	snop;
	(pc) =	sbr.ind lr, $3  }
0x3a: {  	_ = 	snop  }
0x3b: {  	_ = 	snop  }
0x3c: {  	p2 =	seq.s32 s10, $0x1;
	s10 =	sld [smem:$0x3FAE]  }
0x3d: {  	_ =	shalt  }
0x3e: {  	_ =	shalt  }
0x3f: {  	_ =	shalt  }
0x40: {  	_ =	shalt  }
0x41: {  	_ =	shalt  }
0x42: {  	_ =	shalt  }
0x43: {  	_ =	shalt  }
0x44: {  	_ =	shalt  }
0x45: {  	_ =	shalt  }
0x46: {  	_ =	shalt  }
0x47: {  	_ =	shalt  }
0x48: {  	_ =	shalt  }
0x49: {  	_ =	shalt  }
0x4a: {  	_ =	shalt  }
0x4b: {  	_ =	shalt  }
0x4c: {  	_ =	shalt  }
0x4d: {  	_ =	shalt  }
0x4e: {  	_ =	shalt  }
0x4f: {  	_ =	shalt  }
0x50: {  	_ =	shalt  }
0x51: {  	_ =	shalt  }
0x52: {  	_ =	shalt  }
0x53: {  	_ =	shalt  }
0x54: {  	_ =	shalt  }
0x55: {  	_ =	shalt  }
0x56: {  	_ =	shalt  }
0x57: {  	_ =	shalt  }
0x58: {  	_ =	shalt  }
0x59: {  	_ =	shalt  }
0x5a: {  	_ =	shalt  }
0x5b: {  	_ =	shalt  }
0x5c: {  	_ =	shalt  }
0x5d: {  	_ =	shalt  }
0x5e: {  	_ =	shalt  }
0x5f: {  	_ =	shalt  }
0x60: {  	_ =	shalt  }
0x61: {  	_ =	shalt  }
0x62: {  	_ =	shalt  }
0x63: {  	_ =	shalt  }
0x64: {  	_ =	shalt  }
0x65: {  	_ =	shalt  }
0x66: {  	_ =	shalt  }
0x67: {  	_ =	shalt  }
0x68: {  	_ =	shalt  }
0x69: {  	_ =	shalt  }
0x6a: {  	_ =	shalt  }
0x6b: {  	_ =	shalt  }
0x6c: {  	_ =	shalt  }
0x6d: {  	_ =	shalt  }
0x6e: {  	_ =	shalt  }
0x6f: {  	_ =	shalt  }
0x70: {  	_ =	shalt  }
0x71: {  	_ =	shalt  }
0x72: {  	_ =	shalt  }
0x73: {  	_ =	shalt  }
0x74: {  	_ =	shalt  }
0x75: {  	_ =	shalt  }
0x76: {  	_ =	shalt  }
0x77: {  	_ =	shalt  }
0x78: {  	_ =	shalt  }
0x79: {  	_ =	shalt  }
0x7a: {  	_ =	shalt  }
0x7b: {  	_ =	shalt  }
0x7c: {  	_ =	shalt  }
0x7d: {  	_ =	shalt  }
0x7e: {  	_ =	shalt  }
0x7f: {  	_ =	shalt  }
0x80: {  	_ =	shalt  }
0x81: {  	_ =	shalt  }
0x82: {  	_ =	shalt  }
0x83: {  	_ =	shalt  }
0x84: {  	_ =	shalt  }
0x85: {  	_ =	shalt  }
0x86: {  	_ =	shalt  }
0x87: {  	_ =	shalt  }
.Lfunc_end0:
.L_simem_size_0:
called_computation_lowered:
.L_overlay_start_0:
0x88: {  	s2 =	sld [smem:$0x3FD9]  }
0x89: {  	s3 =	sld [smem:$0x3FFE];
	_ =	sdelay $0x1  }
0x8a: {  	s1 =	srdreg.scid  }
0x8b: {  	s0 =	sand.u32 $0x1, s1  }
0x8c: {  	s17 =	sshll.u32 s0, $0xA;
	s2 =	sadd.s32 s3, s2  }
0x8d: {  	s2 =	sadd.s32 s2, s17  }
0x8e: {  	[smem:$0x3FBA] =	sst s2  }
0x8f: {  	_ = 	snop  }
0x90: {  	s2 =	sld [smem:$0x3FC8];
	(tm) =	ssettm $0x1  }
0x91: {  	s18 =	sld [smem:$0x3FFB];
	_ =	sdelay $0x3  }
0x92: {  	_ =	strace s18  }
0x93: {  	s3 =	sld [smem:$0x3FFC];
	_ =	sdelay $0x3  }
0x94: {  	_ =	strace s3  }
0x95: {  	s3 =	sld [smem:$0x3FFD];
	_ =	sdelay $0x3  }
0x96: {  	_ =	strace s3  }
0x97: {  	_ =	strace $0x8FFFFFFF  }
0x98: {  	s19 =	sld [smem:$0x3FDB];
	_ =	sdelay $0x1  }
0x99: {  	s4 =	simm.s32 $_scs_section_size  }
0x9a: {  	s5 =	simm.s32 $_size__tile_overlayer_lowered;
	s6 =	simm.s32 $_tile_overlayer_lowered  }
0x9b: {  	s22 =	simm.s32 $0x1BFF;
	s21 =	sshll.u32 s6, $0x1;
	s3 =	sadd.s32 s4, s19  }
0x9c: {  	s7 =	simm.s32 $0x0;
	s20 =	sshll.u32 s5, $0x1;
	s5 =	sadd.s32 s21, s3  }
0x9d: {  	[timem:s7], [sflag:s22] =	dma.local [hbm:s5], s20  }
0x9e: {  	_ =	swait.ge [sflag:s22], s20  }
0x9f: {  	s4 =	ssub.s32 $0x0, s20;
	[sflag:s22] =	ssyncset.done $0x0  }
0xa0: {  	[sflag:s22] =	ssyncadd.s32 s4;
	_ =	sdelay $0x1  }
0xa1: {  	s23 =	simm.s32 $0x1B8B  }
0xa2: {  	_ =	swait.ge [sflag:s23], $0x1  }
0xa3: {  	[sflag:s23] =	ssyncset.done $0x0  }
0xa4: {  	s25 =	simm.s32 $0x1B8E;
	s24 =	sld [smem:$0x3FFE];
	[sflag:s23] =	ssyncadd.s32 $0xFFFFFFFF  }
0xa5: {  	s26 =	simm.s32 $execute0_lowered;
	[smem:$0x3FD2] =	sst s25  }
0xa6: {  	s5 =	sshll.u32 s26, $0x1;
	_ =	strace $0x80000046;
	[dreg:$0x1] =	wrdreg $0xFFFFFFFF  }
0xa7: {  	s28 =	simm.s32 $_size_execute0_lowered;
	s3 =	sadd.s32 s3, s5;
	[dreg:$0x0] =	wrdreg $0x0  }
0xa8: {  	s5 =	sshll.u32 s28, $0x1;
	[dreg:$0x2] =	wrdreg s3  }
0xa9: {  	[dreg:$0x3] =	wrdreg s5  }
0xaa: {  	[dreg:$0x4] =	wrdreg $0xC0  }
0xab: {  	_ =	task [dreg:s7], $0x5FFFF  }
0xac: {  	[dreg:$0x1] =	wrdreg $0xFFFFFFFF  }
0xad: {  	[dreg:$0x0] =	wrdreg $0x60  }
0xae: {  	[dreg:$0x2] =	wrdreg s2  }
0xaf: {  	[dreg:$0x3] =	wrdreg s24  }
0xb0: {  	[dreg:$0x4] =	wrdreg $0x9  }
0xb1: {  	_ =	task.clear_ibuf [dreg:s7], $0x5FFFF;
	_ =	strace $0x90000046  }
0xb2: {  	s29 =	simm.s32 $0x9;
	_ =	strace $0x80000048  }
0xb3: {  	_ =	swait.ge [sflag:s29], $0x1  }
0xb4: {  	[sflag:s29] =	ssyncadd.s32 $0xFFFFFFFF  }
0xb5: {  	_ =	strace $0x90000048  }
0xb6: {  	_ =	sfence  }
0xb7: {  	s30 =	sld [smem:$0x0];
	_ =	sdelay $0x2  }
0xb8: {  	s31 =	sshll.u32 s1, $0xD;
	s1 =	sshrl.u32 s1, $0x2  }
0xb9: {  	s3 =	sand.u32 $0x4000, s31;
	s1 =	sadd.s32 s1, s30  }
0xba: {  	s0 =	sor.u32 s3, s0;
	s1 =	sshll.u32 s1, $0x11  }
0xbb: {  	s0 =	sor.u32 s1, s0  }
0xbc: {  	s0 =	sadd.s32 $0x8F2B, s0  }
0xbd: {  	[sflag:s0] =	ssyncadd.remote.s32 $0x1  }
0xbe: {  	_ =	sfence.sel $0xFFFF  }
0xbf: {  	[dreg:$0x0] =	wrdreg $0xFFFFFFFF;
	(pc) =	sbr.abs _section_cstart, $3  }
0xc0: {  	[dreg:$0x1] =	wrdreg $0xFFFFFFFF  }
0xc1: {  	_ =	task.clear_ibuf [dreg:s7], $0x2FFFF;
	_ =	strace $0x9FFFFFFF  }
0xc2: {  	(tm) =	ssettm $0x7FFFFFFF  }
0xc3: {  	_ =	shalt  }
tec
execute0_lowered:
.L_overlay_start_1:
0x0: {  	(tag) =	ssettag $0x1  }
0x1: {  	s1 =	srdreg.scid;
	s0 =	stileid.u32  }
0x2: {  	s2 =	rddreg [dreg:$0x0];
	s1 =	sand.u32 $0x1, s1;
	s3 =	sshll.u32 s0, $0x1  }
0x3: {  	s5 =	rddreg [dreg:$0x1];
	s4 =	sor.u32 s1, s3;
	s3 =	simm.s32 $0x0  }
0x4: {  	s10 =	simm.s32 $0x900;
	[smem:$0x7FF] =	sst s3  }
0x5: {  	s11 =	simm.s32 $0x1100;
	_ =	strace $0x80000047;
	[dreg:$0x5] =	wrdreg s10  }
0x6: {  	s12 =	simm.s32 $0x1900;
	[dreg:$0x6] =	wrdreg s11  }
0x7: {  	s13 =	simm.s32 $0x2100;
	[dreg:$0x7] =	wrdreg s12  }
0x8: {  	s14 =	simm.s32 $0x2900;
	[dreg:$0x8] =	wrdreg s13  }
0x9: {  	s15 =	simm.s32 $0x3100;
	[dreg:$0x9] =	wrdreg s14  }
0xa: {  	s16 =	simm.s32 $0x3900;
	[dreg:$0xa] =	wrdreg s15  }
0xb: {  	s17 =	simm.s32 $0x4100;
	s18 =	simm.s32 $0x4900;
	[dreg:$0xb] =	wrdreg s16  }
0xc: {  	s19 =	simm.s32 $0x5100;
	s20 =	simm.s32 $0x5900;
	[dreg:$0xc] =	wrdreg s17  }
0xd: {  	s21 =	simm.s32 $0x6100;
	s23 =	simm.s32 $0x6900;
	[dreg:$0xd] =	wrdreg s18  }
0xe: {  	s24 =	simm.s32 $0x7100;
	s25 =	simm.s32 $0x7900;
	[dreg:$0xe] =	wrdreg s19  }
0xf: {  	s26 =	simm.s32 $0x8100;
	s7 =	simm.s32 $0x100;
	[dreg:$0xf] =	wrdreg s20  }
0x10: {  	s28 =	simm.s32 $0x12100;
	s29 =	simm.s32 $0x12900;
	[dreg:$0x10] =	wrdreg s21  }
0x11: {  	s30 =	simm.s32 $0x13100;
	s31 =	simm.s32 $0x13900;
	[dreg:$0x11] =	wrdreg s23  }
0x12: {  	s1 =	ssub.s32 $0x2, s1;
	s6 =	smul.u32 $0x14, s4;
	[dreg:$0x12] =	wrdreg s24  }
0x13: {  	s4 =	smul.u32 $0x2800, s4;
	s22 =	sshrl.u32 s1, $0x1;
	[dreg:$0x13] =	wrdreg s25  }
0x14: {  	s1 =	ssub.s32 s1, s22;
	[dreg:$0x14] =	wrdreg s26;
	s10 =	simm.s32 $0x9900  }
0x15: {  	s11 =	simm.s32 $0xA100;
	s12 =	simm.s32 $0xA900;
	s13 =	simm.s32 $0xB100  }
0x16: {  	s14 =	simm.s32 $0xB900;
	s15 =	simm.s32 $0xC100;
	s16 =	simm.s32 $0xC900  }
0x17: {  	s17 =	simm.s32 $0xD100;
	s18 =	simm.s32 $0xD900;
	s19 =	simm.s32 $0xE100  }
0x18: {  	s20 =	simm.s32 $0xE900;
	s21 =	simm.s32 $0xF100;
	s22 =	simm.s32 $0xF900  }
0x19: {  	s23 =	simm.s32 $0x10100;
	s24 =	simm.s32 $0x10900;
	s25 =	simm.s32 $0x11100  }
0x1a: {  	s26 =	simm.s32 $0x11900;
	s6 =	sadd.s32 s6, s5;
	s4 =	sadd.s32 s4, s5  }
0x1b: {  	v2 =	vlaneseq.u32;
	s5 =	smax.u32 s1, $0x1;
	s1 =	simm.s32 $0x1;
	s9 =	sadd.s32 $0x2800, s6  }
0x1c: {  	vm0 =	vmmov $0xffff;
	v1 =	vshrl.u32 v2, $0x3;
	s4 =	sadd.s32 $0x2C00, s4;
	s6 =	simm.s32 $0x2;
	[dreg:$0x3] =	wrdreg s9  }
0x1d: {  	v0 =	vand.u32 $0x7, v2;
	v2 =	vor.u32 $0x8, v2;
	v1 =	vmul.u32 $0x8, v1;
	[dreg:$0x4] =	wrdreg s4;
	s4 =	sadd.s32 $0x100, s2;
	s9 =	simm.s32 $0x9100  }
.LBB2_1:
0x1e: {  	s0 =	rddreg [dreg:$0x3]  }
0x1f: {  	[tilespmem:s3], [sflag:$0x2] =	stream.linear.gather [hbm4b:s0+s3], $0xA0, $0x38;
	[tilespmem:$0x14100] =	vst v63  }
0x20: {  	_ =	swait.ge [sflag:s6], $0xA0  }
0x21: {  	[sflag:s6] =	ssyncset.done $0x0  }
0x22: {  	[sflag:s6] =	ssyncadd.s32 $0xFFFFFF60  }
0x23: {  	v3 =	vld [tilespmem:$0x0];
	_ =	sdelay $0x4  }
0x24: {  	v4 =	vshll.u32 v3, $0x2  }
0x25: {  	v3 =	vand.u32 $0x7, v3;
	v4 =	vand.u32 $0xFFFFFFE0, v4  }
0x26: {  	v3 =	vor.u32 v3, v4  }
0x27: {  	v4 =	vperm.xlane v3, v0;
	_ =	sdelay $0x1  }
0x28: {  	v4 =	vadd.s32 v1, v4;
	_ =	sdelay $0x1  }
0x29: {  	v3 =	vperm.xlane v3, v2;
	_ =	sdelay $0x1  }
0x2a: {  	v3 =	vadd.s32 v1, v3  }
0x2b: {  	[tilespmem:s7], [sflag:$0x1] =	stream.indirect_vreg.gather [hbm4b:s2+s3], $0x80, v4, vm0, $0xb8;
	[tilespmem:$0x14100] =	vst v63  }
0x2c: {  	s0 =	rddreg [dreg:$0x5]  }
0x2d: {  	[tilespmem:s0], [sflag:$0x1] =	stream.indirect_vreg.gather [hbm4b:s4+s3], $0x80, v4, vm0, $0xb8;
	[tilespmem:$0x14100] =	vst v63  }
0x2e: {  	s8 =	rddreg [dreg:$0x6]  }
0x2f: {  	[tilespmem:s8], [sflag:$0x1] =	stream.indirect_vreg.gather [hbm4b:s2+s3], $0x80, v3, vm0, $0xb8;
	[tilespmem:$0x14100] =	vst v63  }
0x30: {  	s0 =	rddreg [dreg:$0x7]  }
0x31: {  	[tilespmem:s0], [sflag:$0x1] =	stream.indirect_vreg.gather [hbm4b:s4+s3], $0x80, v3, vm0, $0xb8;
	[tilespmem:$0x14100] =	vst v63  }
0x32: {  	v3 =	vld [tilespmem:$0x10];
	_ =	sdelay $0x4  }
0x33: {  	v55 =	vshll.u32 v3, $0x2  }
0x34: {  	v3 =	vand.u32 $0x7, v3;
	v4 =	vand.u32 $0xFFFFFFE0, v55  }
0x35: {  	v3 =	vor.u32 v3, v4  }
0x36: {  	v4 =	vperm.xlane v3, v0;
	_ =	sdelay $0x1  }
0x37: {  	v4 =	vadd.s32 v1, v4;
	_ =	sdelay $0x1  }
0x38: {  	v3 =	vperm.xlane v3, v2;
	_ =	sdelay $0x1  }
0x39: {  	s0 =	rddreg [dreg:$0x8];
	v3 =	vadd.s32 v1, v3  }
0x3a: {  	[tilespmem:s0], [sflag:$0x1] =	stream.indirect_vreg.gather [hbm4b:s2+s3], $0x80, v4, vm0, $0xb8;
	[tilespmem:$0x14100] =	vst v63  }
0x3b: {  	s8 =	rddreg [dreg:$0x9]  }
0x3c: {  	[tilespmem:s8], [sflag:$0x1] =	stream.indirect_vreg.gather [hbm4b:s4+s3], $0x80, v4, vm0, $0xb8;
	[tilespmem:$0x14100] =	vst v63  }
0x3d: {  	s0 =	rddreg [dreg:$0xa]  }
0x3e: {  	[tilespmem:s0], [sflag:$0x1] =	stream.indirect_vreg.gather [hbm4b:s2+s3], $0x80, v3, vm0, $0xb8;
	[tilespmem:$0x14100] =	vst v63  }
0x3f: {  	s8 =	rddreg [dreg:$0xb]  }
0x40: {  	[tilespmem:s8], [sflag:$0x1] =	stream.indirect_vreg.gather [hbm4b:s4+s3], $0x80, v3, vm0, $0xb8;
	[tilespmem:$0x14100] =	vst v63  }
0x41: {  	v3 =	vld [tilespmem:$0x20];
	_ =	sdelay $0x4  }
0x42: {  	v56 =	vshll.u32 v3, $0x2  }
0x43: {  	v3 =	vand.u32 $0x7, v3;
	v4 =	vand.u32 $0xFFFFFFE0, v56  }
0x44: {  	v3 =	vor.u32 v3, v4  }
0x45: {  	v4 =	vperm.xlane v3, v0;
	_ =	sdelay $0x1  }
0x46: {  	v4 =	vadd.s32 v1, v4;
	_ =	sdelay $0x1  }
0x47: {  	v3 =	vperm.xlane v3, v2;
	_ =	sdelay $0x1  }
0x48: {  	s0 =	rddreg [dreg:$0xc];
	v3 =	vadd.s32 v1, v3  }
0x49: {  	[tilespmem:s0], [sflag:$0x1] =	stream.indirect_vreg.gather [hbm4b:s2+s3], $0x80, v4, vm0, $0xb8;
	[tilespmem:$0x14100] =	vst v63  }
0x4a: {  	s8 =	rddreg [dreg:$0xd]  }
0x4b: {  	[tilespmem:s8], [sflag:$0x1] =	stream.indirect_vreg.gather [hbm4b:s4+s3], $0x80, v4, vm0, $0xb8;
	[tilespmem:$0x14100] =	vst v63  }
0x4c: {  	s0 =	rddreg [dreg:$0xe]  }
0x4d: {  	[tilespmem:s0], [sflag:$0x1] =	stream.indirect_vreg.gather [hbm4b:s2+s3], $0x80, v3, vm0, $0xb8;
	[tilespmem:$0x14100] =	vst v63  }
0x4e: {  	s8 =	rddreg [dreg:$0xf]  }
0x4f: {  	[tilespmem:s8], [sflag:$0x1] =	stream.indirect_vreg.gather [hbm4b:s4+s3], $0x80, v3, vm0, $0xb8;
	[tilespmem:$0x14100] =	vst v63  }
0x50: {  	v3 =	vld [tilespmem:$0x30];
	_ =	sdelay $0x4  }
0x51: {  	v57 =	vshll.u32 v3, $0x2  }
0x52: {  	v3 =	vand.u32 $0x7, v3;
	v4 =	vand.u32 $0xFFFFFFE0, v57  }
0x53: {  	v3 =	vor.u32 v3, v4  }
0x54: {  	v4 =	vperm.xlane v3, v0;
	_ =	sdelay $0x1  }
0x55: {  	v4 =	vadd.s32 v1, v4;
	_ =	sdelay $0x1  }
0x56: {  	v3 =	vperm.xlane v3, v2;
	_ =	sdelay $0x1  }
0x57: {  	s0 =	rddreg [dreg:$0x10];
	v3 =	vadd.s32 v1, v3  }
0x58: {  	[tilespmem:s0], [sflag:$0x1] =	stream.indirect_vreg.gather [hbm4b:s2+s3], $0x80, v4, vm0, $0xb8;
	[tilespmem:$0x14100] =	vst v63  }
0x59: {  	s8 =	rddreg [dreg:$0x11]  }
0x5a: {  	[tilespmem:s8], [sflag:$0x1] =	stream.indirect_vreg.gather [hbm4b:s4+s3], $0x80, v4, vm0, $0xb8;
	[tilespmem:$0x14100] =	vst v63  }
0x5b: {  	s0 =	rddreg [dreg:$0x12]  }
0x5c: {  	[tilespmem:s0], [sflag:$0x1] =	stream.indirect_vreg.gather [hbm4b:s2+s3], $0x80, v3, vm0, $0xb8;
	[tilespmem:$0x14100] =	vst v63  }
0x5d: {  	s8 =	rddreg [dreg:$0x13]  }
0x5e: {  	[tilespmem:s8], [sflag:$0x1] =	stream.indirect_vreg.gather [hbm4b:s4+s3], $0x80, v3, vm0, $0xb8;
	[tilespmem:$0x14100] =	vst v63  }
0x5f: {  	v3 =	vld [tilespmem:$0x40];
	_ =	sdelay $0x4  }
0x60: {  	v58 =	vshll.u32 v3, $0x2  }
0x61: {  	v3 =	vand.u32 $0x7, v3;
	v4 =	vand.u32 $0xFFFFFFE0, v58  }
0x62: {  	v3 =	vor.u32 v3, v4  }
0x63: {  	v4 =	vperm.xlane v3, v0;
	_ =	sdelay $0x1  }
0x64: {  	v4 =	vadd.s32 v1, v4;
	_ =	sdelay $0x1  }
0x65: {  	v3 =	vperm.xlane v3, v2;
	_ =	sdelay $0x1  }
0x66: {  	s8 =	rddreg [dreg:$0x14];
	v3 =	vadd.s32 v1, v3  }
0x67: {  	[tilespmem:s8], [sflag:$0x1] =	stream.indirect_vreg.gather [hbm4b:s2+s3], $0x80, v4, vm0, $0xb8;
	[tilespmem:$0x14100] =	vst v63  }
0x68: {  	s8 =	simm.s32 $0x8900  }
0x69: {  	[tilespmem:s8], [sflag:$0x1] =	stream.indirect_vreg.gather [hbm4b:s4+s3], $0x80, v4, vm0, $0xb8;
	[tilespmem:$0x14100] =	vst v63  }
0x6a: {  	_ = 	snop  }
0x6b: {  	[tilespmem:s9], [sflag:$0x1] =	stream.indirect_vreg.gather [hbm4b:s2+s3], $0x80, v3, vm0, $0xb8;
	[tilespmem:$0x14100] =	vst v63  }
0x6c: {  	_ = 	snop  }
0x6d: {  	[tilespmem:s10], [sflag:$0x1] =	stream.indirect_vreg.gather [hbm4b:s4+s3], $0x80, v3, vm0, $0xb8;
	[tilespmem:$0x14100] =	vst v63  }
0x6e: {  	v3 =	vld [tilespmem:$0x50];
	_ =	sdelay $0x4  }
0x6f: {  	v59 =	vshll.u32 v3, $0x2  }
0x70: {  	v3 =	vand.u32 $0x7, v3;
	v4 =	vand.u32 $0xFFFFFFE0, v59  }
0x71: {  	v3 =	vor.u32 v3, v4  }
0x72: {  	v4 =	vperm.xlane v3, v0;
	_ =	sdelay $0x1  }
0x73: {  	v4 =	vadd.s32 v1, v4;
	_ =	sdelay $0x1  }
0x74: {  	v3 =	vperm.xlane v3, v2;
	_ =	sdelay $0x1  }
0x75: {  	v3 =	vadd.s32 v1, v3  }
0x76: {  	[tilespmem:s11], [sflag:$0x1] =	stream.indirect_vreg.gather [hbm4b:s2+s3], $0x80, v4, vm0, $0xb8;
	[tilespmem:$0x14100] =	vst v63  }
0x77: {  	_ = 	snop  }
0x78: {  	[tilespmem:s12], [sflag:$0x1] =	stream.indirect_vreg.gather [hbm4b:s4+s3], $0x80, v4, vm0, $0xb8;
	[tilespmem:$0x14100] =	vst v63  }
0x79: {  	_ = 	snop  }
0x7a: {  	[tilespmem:s13], [sflag:$0x1] =	stream.indirect_vreg.gather [hbm4b:s2+s3], $0x80, v3, vm0, $0xb8;
	[tilespmem:$0x14100] =	vst v63  }
0x7b: {  	_ = 	snop  }
0x7c: {  	[tilespmem:s14], [sflag:$0x1] =	stream.indirect_vreg.gather [hbm4b:s4+s3], $0x80, v3, vm0, $0xb8;
	[tilespmem:$0x14100] =	vst v63  }
0x7d: {  	v3 =	vld [tilespmem:$0x60];
	_ =	sdelay $0x4  }
0x7e: {  	v60 =	vshll.u32 v3, $0x2  }
0x7f: {  	v3 =	vand.u32 $0x7, v3;
	v4 =	vand.u32 $0xFFFFFFE0, v60  }
0x80: {  	v3 =	vor.u32 v3, v4  }
0x81: {  	v4 =	vperm.xlane v3, v0;
	_ =	sdelay $0x1  }
0x82: {  	v4 =	vadd.s32 v1, v4;
	_ =	sdelay $0x1  }
0x83: {  	v3 =	vperm.xlane v3, v2;
	_ =	sdelay $0x1  }
0x84: {  	v3 =	vadd.s32 v1, v3  }
0x85: {  	[tilespmem:s15], [sflag:$0x1] =	stream.indirect_vreg.gather [hbm4b:s2+s3], $0x80, v4, vm0, $0xb8;
	[tilespmem:$0x14100] =	vst v63  }
0x86: {  	_ = 	snop  }
0x87: {  	[tilespmem:s16], [sflag:$0x1] =	stream.indirect_vreg.gather [hbm4b:s4+s3], $0x80, v4, vm0, $0xb8;
	[tilespmem:$0x14100] =	vst v63  }
0x88: {  	_ = 	snop  }
0x89: {  	[tilespmem:s17], [sflag:$0x1] =	stream.indirect_vreg.gather [hbm4b:s2+s3], $0x80, v3, vm0, $0xb8;
	[tilespmem:$0x14100] =	vst v63  }
0x8a: {  	_ = 	snop  }
0x8b: {  	[tilespmem:s18], [sflag:$0x1] =	stream.indirect_vreg.gather [hbm4b:s4+s3], $0x80, v3, vm0, $0xb8;
	[tilespmem:$0x14100] =	vst v63  }
0x8c: {  	v3 =	vld [tilespmem:$0x70];
	_ =	sdelay $0x4  }
0x8d: {  	v61 =	vshll.u32 v3, $0x2  }
0x8e: {  	v3 =	vand.u32 $0x7, v3;
	v4 =	vand.u32 $0xFFFFFFE0, v61  }
0x8f: {  	v3 =	vor.u32 v3, v4  }
0x90: {  	v4 =	vperm.xlane v3, v0;
	_ =	sdelay $0x1  }
0x91: {  	v4 =	vadd.s32 v1, v4;
	_ =	sdelay $0x1  }
0x92: {  	v3 =	vperm.xlane v3, v2;
	_ =	sdelay $0x1  }
0x93: {  	v3 =	vadd.s32 v1, v3  }
0x94: {  	[tilespmem:s19], [sflag:$0x1] =	stream.indirect_vreg.gather [hbm4b:s2+s3], $0x80, v4, vm0, $0xb8;
	[tilespmem:$0x14100] =	vst v63  }
0x95: {  	_ = 	snop  }
0x96: {  	[tilespmem:s20], [sflag:$0x1] =	stream.indirect_vreg.gather [hbm4b:s4+s3], $0x80, v4, vm0, $0xb8;
	[tilespmem:$0x14100] =	vst v63  }
0x97: {  	_ = 	snop  }
0x98: {  	[tilespmem:s21], [sflag:$0x1] =	stream.indirect_vreg.gather [hbm4b:s2+s3], $0x80, v3, vm0, $0xb8;
	[tilespmem:$0x14100] =	vst v63  }
0x99: {  	_ = 	snop  }
0x9a: {  	[tilespmem:s22], [sflag:$0x1] =	stream.indirect_vreg.gather [hbm4b:s4+s3], $0x80, v3, vm0, $0xb8;
	[tilespmem:$0x14100] =	vst v63  }
0x9b: {  	v3 =	vld [tilespmem:$0x80];
	_ =	sdelay $0x4  }
0x9c: {  	v62 =	vshll.u32 v3, $0x2  }
0x9d: {  	v3 =	vand.u32 $0x7, v3;
	v4 =	vand.u32 $0xFFFFFFE0, v62  }
0x9e: {  	v3 =	vor.u32 v3, v4  }
0x9f: {  	v4 =	vperm.xlane v3, v0;
	_ =	sdelay $0x1  }
0xa0: {  	v4 =	vadd.s32 v1, v4;
	_ =	sdelay $0x1  }
0xa1: {  	v3 =	vperm.xlane v3, v2;
	_ =	sdelay $0x1  }
0xa2: {  	v3 =	vadd.s32 v1, v3  }
0xa3: {  	[tilespmem:s23], [sflag:$0x1] =	stream.indirect_vreg.gather [hbm4b:s2+s3], $0x80, v4, vm0, $0xb8;
	[tilespmem:$0x14100] =	vst v63  }
0xa4: {  	_ = 	snop  }
0xa5: {  	[tilespmem:s24], [sflag:$0x1] =	stream.indirect_vreg.gather [hbm4b:s4+s3], $0x80, v4, vm0, $0xb8;
	[tilespmem:$0x14100] =	vst v63  }
0xa6: {  	_ = 	snop  }
0xa7: {  	[tilespmem:s25], [sflag:$0x1] =	stream.indirect_vreg.gather [hbm4b:s2+s3], $0x80, v3, vm0, $0xb8;
	[tilespmem:$0x14100] =	vst v63  }
0xa8: {  	_ = 	snop  }
0xa9: {  	[tilespmem:s26], [sflag:$0x1] =	stream.indirect_vreg.gather [hbm4b:s4+s3], $0x80, v3, vm0, $0xb8;
	[tilespmem:$0x14100] =	vst v63  }
0xaa: {  	v3 =	vld [tilespmem:$0x90];
	_ =	sdelay $0x4  }
0xab: {  	v63 =	vshll.u32 v3, $0x2  }
0xac: {  	v3 =	vand.u32 $0x7, v3;
	v4 =	vand.u32 $0xFFFFFFE0, v63  }
0xad: {  	v3 =	vor.u32 v3, v4  }
0xae: {  	v4 =	vperm.xlane v3, v0;
	_ =	sdelay $0x1  }
0xaf: {  	v4 =	vadd.s32 v1, v4;
	_ =	sdelay $0x1  }
0xb0: {  	v3 =	vperm.xlane v3, v2;
	_ =	sdelay $0x1  }
0xb1: {  	v3 =	vadd.s32 v1, v3  }
0xb2: {  	[tilespmem:s28], [sflag:$0x1] =	stream.indirect_vreg.gather [hbm4b:s2+s3], $0x80, v4, vm0, $0xb8;
	[tilespmem:$0x14100] =	vst v63  }
0xb3: {  	_ = 	snop  }
0xb4: {  	[tilespmem:s29], [sflag:$0x1] =	stream.indirect_vreg.gather [hbm4b:s4+s3], $0x80, v4, vm0, $0xb8;
	[tilespmem:$0x14100] =	vst v63  }
0xb5: {  	_ = 	snop  }
0xb6: {  	[tilespmem:s30], [sflag:$0x1] =	stream.indirect_vreg.gather [hbm4b:s2+s3], $0x80, v3, vm0, $0xb8;
	[tilespmem:$0x14100] =	vst v63  }
0xb7: {  	_ = 	snop  }
0xb8: {  	[tilespmem:s31], [sflag:$0x1] =	stream.indirect_vreg.gather [hbm4b:s4+s3], $0x80, v3, vm0, $0xb8;
	[tilespmem:$0x14100] =	vst v63  }
0xb9: {  	_ =	swait.ge [sflag:s1], $0x14000  }
0xba: {  	p0 =	sne.s32 s5, $0x1;
	[sflag:s1] =	ssyncset.done $0x0  }
.Ltmp0:
0xbb: {  	s8 =	rddreg [dreg:$0x4];
	[sflag:s1] =	ssyncadd.s32 $0xFFFEC000;
	(pc) =	sbr.rel @p0 .LBB2_1-.Ltmp0, $4  }
0xbc: {  	[hbm4b:s8+s3] =	stream.linear.scatter [tilespmem:s7], [sflag:$0x2], $0x14000, $0x38;
	[tilespmem:$0x14100] =	vst v63  }
0xbd: {  	_ =	swait.ge [sflag:s6], $0x14000  }
0xbe: {  	[sflag:s6] =	ssyncset.done $0x0  }
0xbf: {  	s5 =	sadd.s32 $0xFFFFFFFF, s5;
	[sflag:s6] =	ssyncadd.s32 $0xFFFEC000  }
0xc0: {  	_ =	sfence.sel $0x180000  }
0xc1: {  	[bflag:$0x0] =	sbarrier.arrive $0xFFFF  }
0xc2: {  	_ =	strace $0x90000047  }
0xc3: {  	s0 =	stileid.u32;
	[bflag:$0x2] =	sbarrier.arrive $0xFFFF  }
0xc4: {  	p0 =	sne.s32 s0, $0x0;
	s0 =	rddreg [dreg:$0x2]  }
0xc5: {  	s0 =	sadd.s32 @!p0 $0x100000, s0  }
0xc6: {  	[sflag:s0] =	ssyncadd.tile.s32 @!p0 $0x1;
	_ =	shalt  }
.Lfunc_end2:
_tile_overlayer_lowered:
.L_overlay_start_2:
0xc7: {  	(tag) =	ssettag $0x2  }
0xc8: {  	s0 =	rddreg [dreg:$0x0];
	s2 =	stileid.u32  }
0xc9: {  	s1 =	rddreg [dreg:$0x1];
	p0 =	sne.s32 s2, $0x0  }
0xca: {  	s3 =	rddreg [dreg:$0x2];
	[bflag:$0x3] =	sbarrier.arrive $0xFFFF;
	s2 =	simm.s32 @!p0 $0x1C02  }
0xcb: {  	[timem:s3], [sflag:s2] =	dma.local @!p0 [hbm:s0], s1  }
0xcc: {  	s0 =	simm.s32 @!p0 $0x2  }
0xcd: {  	_ =	swait.ge @!p0 [sflag:s0], s1  }
0xce: {  	s1 =	ssub.s32 @!p0 $0x0, s1;
	[sflag:s0] =	ssyncset.done @!p0 $0x0  }
0xcf: {  	[sflag:s0] =	ssyncadd.s32 @!p0 s1  }
0xd0: {  	[bflag:$0x3] =	sbarrier.arrive $0xFFFF  }
0xd1: {  	_ =	shalt  }

</sc_bundles>
